<compile_context>
chip_gen: v7x
topology: tpu7x:2x2x1
jax: 0.10.2.dev20260603
libtpu: 0.0.44.dev20260713+nightly
codegen_flags: <defaults>
</compile_context>

<pallas_src>
import functools

import jax
import jax.numpy as jnp
from jax import lax
from jax.experimental import pallas as pl
from jax.experimental.pallas import tpu as pltpu
from jax.experimental.pallas import tpu_sc as plsc

GAMMA = 0.1
EPSILON = 0.1
N, E, D, OUT = 10000, 320000, 128, 40

NC, NS = 2, 16
NW = NC * NS
EPW = E // NW
CHUNK = 80
NCHUNK = EPW // CHUNK
NPADH = 10240
HSTRIPE = NPADH // NS
NPADR = 10240
RSTRIPE = NPADR // NS

def _hist_body(row3_hbm, out_hbm, idx_all_v, ones_v, zb_v, hist_sh, sem):
    cid = lax.axis_index("core")
    sid = lax.axis_index("subcore")
    wid = sid * NC + cid

    @pl.loop(0, HSTRIPE // 16)
    def _(i):
        zb_v[pl.ds(i * 16, 16)] = jnp.zeros((16,), jnp.float32)

    @pl.loop(0, CHUNK // 16)
    def _(i):
        ones_v[pl.ds(i * 16, 16)] = jnp.ones((16,), jnp.float32)

    pltpu.async_copy(row3_hbm.at[wid], idx_all_v, sem)
    pltpu.sync_copy(zb_v, hist_sh.at[pl.ds(sid * HSTRIPE, HSTRIPE)])
    pltpu.make_async_copy(row3_hbm.at[wid], idx_all_v, sem).wait()
    plsc.subcore_barrier()

    @pl.loop(0, NCHUNK)
    def _(c):
        pltpu.sync_copy(ones_v, hist_sh.at[idx_all_v.at[c]], add=True)

    plsc.subcore_barrier()
    pltpu.sync_copy(hist_sh.at[pl.ds(sid * HSTRIPE, HSTRIPE)],
                    out_hbm.at[cid, pl.ds(sid * HSTRIPE, HSTRIPE)])


@functools.cache
def _get_hist():
    mesh = plsc.VectorSubcoreMesh(core_axis_name="core",
                                  subcore_axis_name="subcore")
    return pl.kernel(
        _hist_body,
        out_type=jax.ShapeDtypeStruct((NC, NPADH), jnp.float32),
        mesh=mesh,
        scratch_types=[
            pltpu.VMEM((NCHUNK, CHUNK), jnp.int32),
            pltpu.VMEM((CHUNK,), jnp.float32),
            pltpu.VMEM((HSTRIPE,), jnp.float32),
            pltpu.VMEM_SHARED((NPADH,), jnp.float32),
            pltpu.SemaphoreType.DMA,
        ],
    )


def _scatter_body(y_hbm, row_hbm, col_hbm, out_hbm, ridx_all_v, cidx_all_v,
                  rows_a, rows_b, acc_sh, sem_a, sem_b):
    cid = lax.axis_index("core")
    sid = lax.axis_index("subcore")
    wid = sid * NC + cid

    @pl.loop(0, CHUNK)
    def _(r):
        @pl.loop(0, D // 16)
        def _(c):
            rows_a[r, pl.ds(c * 16, 16)] = jnp.zeros((16,), jnp.float32)

    pltpu.async_copy(row_hbm.at[pl.ds(wid * EPW, EPW)], ridx_all_v, sem_b)
    pltpu.async_copy(col_hbm.at[pl.ds(wid * EPW, EPW)], cidx_all_v, sem_b)

    @pl.loop(0, RSTRIPE // CHUNK)
    def _(j):
        pltpu.async_copy(rows_a, acc_sh.at[pl.ds(sid * RSTRIPE + j * CHUNK,
                                                 CHUNK)], sem_a)

    @pl.loop(0, RSTRIPE // CHUNK)
    def _(j):
        pltpu.make_async_copy(rows_a,
                              acc_sh.at[pl.ds(sid * RSTRIPE + j * CHUNK,
                                              CHUNK)], sem_a).wait()
    pltpu.make_async_copy(row_hbm.at[pl.ds(wid * EPW, EPW)], ridx_all_v,
                          sem_b).wait()
    pltpu.make_async_copy(col_hbm.at[pl.ds(wid * EPW, EPW)], cidx_all_v,
                          sem_b).wait()
    plsc.subcore_barrier()

    def _ridx(c):
        return ridx_all_v.at[pl.ds(c * CHUNK, CHUNK)]

    def _cidx(c):
        return cidx_all_v.at[pl.ds(c * CHUNK, CHUNK)]

    pltpu.async_copy(y_hbm.at[_ridx(0)], rows_a, sem_a)

    @pl.loop(0, NCHUNK // 2)
    def _(i):
        c0 = 2 * i
        c1 = c0 + 1
        db = pltpu.async_copy(y_hbm.at[_ridx(c1)], rows_b, sem_b)
        pltpu.make_async_copy(y_hbm.at[_ridx(c0)], rows_a, sem_a).wait()
        pltpu.sync_copy(rows_a, acc_sh.at[_cidx(c0)], add=True)
        pltpu.async_copy(y_hbm.at[_ridx(c1 + 1)], rows_a, sem_a)
        db.wait()
        pltpu.sync_copy(rows_b, acc_sh.at[_cidx(c1)], add=True)

    c_last = NCHUNK - 1
    pltpu.make_async_copy(y_hbm.at[_ridx(c_last)], rows_a, sem_a).wait()
    pltpu.sync_copy(rows_a, acc_sh.at[_cidx(c_last)], add=True)

    plsc.subcore_barrier()
    r0 = sid * RSTRIPE
    pltpu.sync_copy(acc_sh.at[pl.ds(r0, RSTRIPE)],
                    out_hbm.at[cid, pl.ds(r0, RSTRIPE)])


@functools.cache
def _get_scatter():
    mesh = plsc.VectorSubcoreMesh(core_axis_name="core",
                                  subcore_axis_name="subcore")
    return pl.kernel(
        _scatter_body,
        out_type=jax.ShapeDtypeStruct((NC, NPADR, D), jnp.float32),
        mesh=mesh,
        scratch_types=[
            pltpu.VMEM((EPW,), jnp.int32),
            pltpu.VMEM((EPW,), jnp.int32),
            pltpu.VMEM((CHUNK, D), jnp.float32),
            pltpu.VMEM((CHUNK, D), jnp.float32),
            pltpu.VMEM_SHARED((NPADR, D), jnp.float32),
            pltpu.SemaphoreType.DMA,
            pltpu.SemaphoreType.DMA,
        ],
    )


BLK = 1024
GRID = pl.cdiv(N, BLK)


def _dis_block(deg_ref):
    sl = pl.ds(pl.program_id(0) * BLK, BLK)
    deg = deg_ref[0, sl] + deg_ref[1, sl] + 1.0
    return lax.rsqrt(deg)[:, None]


def _tck1a_body(x_ref, embw_ref, h0_ref):
    h0_ref[...] = jnp.dot(x_ref[...], embw_ref[...].T,
                          preferred_element_type=jnp.float32)


def _tck1b_body(h0_ref, lin_ref, deg_ref, y1_ref):
    ax = jnp.dot(h0_ref[...], lin_ref[...].T,
                 preferred_element_type=jnp.float32)
    y1_ref[...] = _dis_block(deg_ref) * ax


def _tck2_body(h_ref, y_ref, acc_ref, deg_ref, w_ref, b_ref, lin2_ref,
               h1_ref, y2_ref):
    dis = _dis_block(deg_ref)
    h = h_ref[...]
    w = w_ref[...]
    weff = w - w.T - GAMMA * jnp.eye(D, dtype=jnp.float32)
    aggr = dis * (acc_ref[0] + acc_ref[1] + y_ref[...])
    xn = jnp.dot(h, weff, preferred_element_type=jnp.float32) + aggr + b_ref[...]
    h1 = h + EPSILON * jnp.tanh(xn)
    h1_ref[...] = h1
    y2_ref[...] = dis * jnp.dot(h1, lin2_ref[...].T,
                                preferred_element_type=jnp.float32)


def _tck3_body(h_ref, y_ref, acc_ref, deg_ref, w_ref, b_ref, finw_ref,
               finb_ref, emb_ref, out_ref):
    dis = _dis_block(deg_ref)
    h = h_ref[...]
    w = w_ref[...]
    weff = w - w.T - GAMMA * jnp.eye(D, dtype=jnp.float32)
    aggr = dis * (acc_ref[0] + acc_ref[1] + y_ref[...])
    xn = jnp.dot(h, weff, preferred_element_type=jnp.float32) + aggr + b_ref[...]
    h2 = h + EPSILON * jnp.tanh(xn)
    emb_ref[...] = h2
    out_ref[...] = (jnp.dot(h2, finw_ref[...].T,
                            preferred_element_type=jnp.float32)
                    + finb_ref[...])


def _rows(i):
    return (i, 0)


_mat_spec = pl.BlockSpec((BLK, D), _rows)
_full = lambda *s: pl.BlockSpec(s, lambda i: tuple(0 for _ in s))
_deg_spec = pl.BlockSpec((NC, NPADH), lambda i: (0, 0))
_acc_spec = pl.BlockSpec((NC, BLK, D), lambda i: (0, i, 0))

_tck1a = pl.pallas_call(
    _tck1a_body,
    grid=(GRID,),
    in_specs=[_mat_spec, _full(D, D)],
    out_specs=_mat_spec,
    out_shape=jax.ShapeDtypeStruct((N, D), jnp.float32),
)

_tck1b = pl.pallas_call(
    _tck1b_body,
    grid=(GRID,),
    in_specs=[_mat_spec, _full(D, D), _deg_spec],
    out_specs=_mat_spec,
    out_shape=jax.ShapeDtypeStruct((N, D), jnp.float32),
)

_tck2 = pl.pallas_call(
    _tck2_body,
    grid=(GRID,),
    in_specs=[_mat_spec, _mat_spec, _acc_spec, _deg_spec,
              _full(D, D), _full(1, D), _full(D, D)],
    out_specs=[_mat_spec, _mat_spec],
    out_shape=[jax.ShapeDtypeStruct((N, D), jnp.float32)] * 2,
)

_tck3 = pl.pallas_call(
    _tck3_body,
    grid=(GRID,),
    in_specs=[_mat_spec, _mat_spec, _acc_spec, _deg_spec,
              _full(D, D), _full(1, D), _full(OUT, D), _full(1, OUT)],
    out_specs=[_mat_spec, pl.BlockSpec((BLK, OUT), _rows)],
    out_shape=[jax.ShapeDtypeStruct((N, D), jnp.float32),
               jax.ShapeDtypeStruct((N, OUT), jnp.float32)],
)


def kernel(x, edge_index, emb_W, conv1_W, conv1_b, conv1_lin,
           conv2_W, conv2_b, conv2_lin, fin_W, fin_b):
    row = edge_index[0]
    col = edge_index[1]
    row3 = row.reshape(NW, NCHUNK, CHUNK)
    degp = _get_hist()(row3)
    h0 = _tck1a(x, emb_W)
    y1 = _tck1b(h0, conv1_lin, degp)
    acc1 = _get_scatter()(y1, row, col)
    h1, y2 = _tck2(h0, y1, acc1, degp, conv1_W, conv1_b.reshape(1, D),
                   conv2_lin)
    acc2 = _get_scatter()(y2, row, col)
    emb, out = _tck3(h1, y2, acc2, degp, conv2_W, conv2_b.reshape(1, D),
                     fin_W, fin_b.reshape(1, OUT))
    return emb, out

# --- scband reference (transcript-rebuilt; emitter-appended) ---
"""Pipeline reference for scband-adgn-67808943670036 (READ-ONLY COPY).

The authoritative reference and input builder live on the scoring server;
editing this copy changes nothing except your own understanding.
"""

import jax, jax.numpy as jnp
import numpy as np

GAMMA = 0.1
EPSILON = 0.1
N, E, D, OUT = 10000, 320000, 128, 40


def adgn_conv(x, Weights, bias, lin_W, edge_index):
    n, d = x.shape
    W = Weights - Weights.T - GAMMA * jnp.eye(d, dtype=x.dtype)
    aggr_x = x @ lin_W.T
    self_loops = jnp.arange(n, dtype=edge_index.dtype)
    row = jnp.concatenate([edge_index[0], self_loops])
    col = jnp.concatenate([edge_index[1], self_loops])
    deg = jnp.zeros((n,), dtype=x.dtype).at[row].add(1.0)
    deg_inv_sqrt = deg ** -0.5
    norm = deg_inv_sqrt[row] * deg_inv_sqrt[col]
    msgs = norm[:, None] * aggr_x[row]
    aggr = jnp.zeros_like(aggr_x).at[col].add(msgs)
    x_new = x @ W + aggr + bias
    return x + EPSILON * jnp.tanh(x_new)


def setup_inputs(seed: int = 0) -> dict:
    key = jax.random.key(seed)
    ks = jax.random.split(key, 12)
    x = jax.random.normal(ks[0], (N, D), dtype=jnp.float32)
    edge_index = jax.random.randint(ks[1], (2, E), 0, N, dtype=jnp.int32)
    s = 1.0 / np.sqrt(D)
    emb_W = jax.random.uniform(ks[2], (D, D), jnp.float32, -s, s)
    conv1_W = jax.random.uniform(ks[3], (D, D), jnp.float32, -s, s)
    conv1_b = jax.random.uniform(ks[4], (D,), jnp.float32, -s, s)
    conv1_lin = jax.random.uniform(ks[5], (D, D), jnp.float32, -s, s)
    conv2_W = jax.random.uniform(ks[6], (D, D), jnp.float32, -s, s)
    conv2_b = jax.random.uniform(ks[7], (D,), jnp.float32, -s, s)
    conv2_lin = jax.random.uniform(ks[8], (D, D), jnp.float32, -s, s)
    fin_W = jax.random.uniform(ks[9], (OUT, D), jnp.float32, -s, s)
    fin_b = jax.random.uniform(ks[10], (OUT,), jnp.float32, -s, s)
    return {"x": x, "edge_index": edge_index, "emb_W": emb_W,
            "conv1_W": conv1_W, "conv1_b": conv1_b, "conv1_lin": conv1_lin,
            "conv2_W": conv2_W, "conv2_b": conv2_b, "conv2_lin": conv2_lin,
            "fin_W": fin_W, "fin_b": fin_b}


def reference(x, edge_index, emb_W, conv1_W, conv1_b, conv1_lin,
              conv2_W, conv2_b, conv2_lin, fin_W, fin_b):
    h = x @ emb_W.T
    h = adgn_conv(h, conv1_W, conv1_b, conv1_lin, edge_index)
    h = adgn_conv(h, conv2_W, conv2_b, conv2_lin, edge_index)
    emb = h
    out = h @ fin_W.T + fin_b
    return (emb, out)

if __name__ == "__main__":
    import jax
    _d = setup_inputs()
    print(jax.jit(kernel)(*tuple(_d.values())))

</pallas_src>

<mosaic_0001>
#map = affine_map<(d0, d1) -> (0, 0)>
#map1 = affine_map<(d0, d1) -> (0)>
#map2 = affine_map<(d0, d1) -> (0, 0, 0)>
module attributes {stable_mosaic.version = 14 : i64} {
  func.func @_scatter_body(%arg0: i32, %arg1: i32, %arg2: memref<10000x128xf32, #tpu.memory_space<hbm>>, %arg3: memref<320000xi32, #tpu.memory_space<hbm>>, %arg4: memref<320000xi32, #tpu.memory_space<hbm>>, %arg5: memref<2x10240x128xf32, #tpu.memory_space<hbm>>, %arg6: memref<10000xi32, #tpu.memory_space<vmem>>, %arg7: memref<10000xi32, #tpu.memory_space<vmem>>, %arg8: memref<80x128xf32, #tpu.memory_space<vmem>>, %arg9: memref<80x128xf32, #tpu.memory_space<vmem>>, %arg10: memref<10240x128xf32, #tpu.memory_space<vmem_shared>>, %arg11: memref<!tpu.dma_semaphore, #tpu.memory_space<semaphore_mem>>, %arg12: memref<!tpu.dma_semaphore, #tpu.memory_space<semaphore_mem>>) attributes {dimension_semantics = [#tpu.dimension_semantics<core_parallel>, #tpu.dimension_semantics<subcore_parallel>], iteration_bounds = array<i64: 2, 16>, scalar_prefetch = 0 : i64, scratch_operands = 7 : i64, tpu.core_type = #tpu.core_type<sc_vector_subcore>, window_params = [{transform_indices = #map}, {transform_indices = #map1}, {transform_indices = #map1}, {transform_indices = #map2}]} {
    %mul3A = arith.constant 2 : i32
    %mul3A_0 = arith.muli %arg1, %mul3A : i32
    %add3A = arith.addi %mul3A_0, %arg0 : i32
    %scan3A = arith.constant 0 : i32
    %scan3A_1 = arith.constant 80 : i32
    %scan3A_2 = arith.addi %scan3A, %scan3A_1 : i32
    %scan3A_3 = arith.constant 1 : i32
    scf.for %scan3A_47 = %scan3A to %scan3A_2 step %scan3A_3  : i32 {
      %mul3A_48 = arith.constant 1 : i32
      %mul3A_49 = arith.muli %scan3A_47, %mul3A_48 : i32
      %add3A_50 = arith.constant 0 : i32
      %add3A_51 = arith.addi %add3A_50, %mul3A_49 : i32
      %scan3A_52 = arith.constant 0 : i32
      %scan3A_53 = arith.constant 8 : i32
      %scan3A_54 = arith.addi %scan3A_52, %scan3A_53 : i32
      %scan3A_55 = arith.constant 1 : i32
      scf.for %scan3A_57 = %scan3A_52 to %scan3A_54 step %scan3A_55  : i32 {
        %mul3A_58 = arith.constant 1 : i32
        %mul3A_59 = arith.muli %scan3A_57, %mul3A_58 : i32
        %add3A_60 = arith.constant 0 : i32
        %add3A_61 = arith.addi %add3A_60, %mul3A_59 : i32
        %broadcast_in_dim3A = arith.constant 0.000000e+00 : f32
        %broadcast_in_dim3A_62 = vector.broadcast %broadcast_in_dim3A : f32 to vector<16xf32>
        %mul3A_63 = arith.constant 16 : i32
        %mul3A_64 = arith.muli %add3A_61, %mul3A_63 : i32
        %swap3A = arith.index_cast %add3A_51 : i32 to index
        %swap3A_65 = arith.index_cast %mul3A_64 : i32 to index
        %swap3A_66 = tpu.vector_load %arg8[%swap3A, %swap3A_65] {strides = array<i32>} : memref<80x128xf32, #tpu.memory_space<vmem>>, vector<1x16xf32>,
        %swap3A_67 = vector.shape_cast %swap3A_66 : vector<1x16xf32> to vector<16xf32>
        %swap3A_68 = vector.shape_cast %broadcast_in_dim3A_62 : vector<16xf32> to vector<1x16xf32>
        tpu.vector_store %arg8[%swap3A, %swap3A_65], %swap3A_68 {strides = array<i32>} : memref<80x128xf32, #tpu.memory_space<vmem>>, vector<1x16xf32>,
      }
      %scan3A_56 = arith.constant 8 : i32
    }
    %scan3A_4 = arith.constant 80 : i32
    %mul3A_5 = arith.constant 10000 : i32
    %mul3A_6 = arith.muli %add3A, %mul3A_5 : i32
    %dma_start3A = tpu.memref_slice %arg3[%mul3A_6] : memref<320000xi32, #tpu.memory_space<hbm>> -> memref<10000xi32, #tpu.memory_space<hbm>>
    %dma_start3A_7 = tpu.memref_slice %arg3[%mul3A_6] : memref<320000xi32, #tpu.memory_space<hbm>> -> memref<10000xi32, #tpu.memory_space<hbm>>
    tpu.enqueue_dma source(%dma_start3A_7 : memref<10000xi32, #tpu.memory_space<hbm>>) target(%arg6 : memref<10000xi32, #tpu.memory_space<vmem>>) target_semaphore(%arg12 : memref<!tpu.dma_semaphore, #tpu.memory_space<semaphore_mem>>)
    %mul3A_8 = arith.constant 10000 : i32
    %mul3A_9 = arith.muli %add3A, %mul3A_8 : i32
    %dma_start3A_10 = tpu.memref_slice %arg4[%mul3A_9] : memref<320000xi32, #tpu.memory_space<hbm>> -> memref<10000xi32, #tpu.memory_space<hbm>>
    %dma_start3A_11 = tpu.memref_slice %arg4[%mul3A_9] : memref<320000xi32, #tpu.memory_space<hbm>> -> memref<10000xi32, #tpu.memory_space<hbm>>
    tpu.enqueue_dma source(%dma_start3A_11 : memref<10000xi32, #tpu.memory_space<hbm>>) target(%arg7 : memref<10000xi32, #tpu.memory_space<vmem>>) target_semaphore(%arg12 : memref<!tpu.dma_semaphore, #tpu.memory_space<semaphore_mem>>)
    %scan3A_12 = arith.constant 0 : i32
    %scan3A_13 = arith.constant 8 : i32
    %scan3A_14 = arith.addi %scan3A_12, %scan3A_13 : i32
    %scan3A_15 = arith.constant 1 : i32
    scf.for %scan3A_47 = %scan3A_12 to %scan3A_14 step %scan3A_15  : i32 {
      %mul3A_48 = arith.constant 1 : i32
      %mul3A_49 = arith.muli %scan3A_47, %mul3A_48 : i32
      %add3A_50 = arith.constant 0 : i32
      %add3A_51 = arith.addi %add3A_50, %mul3A_49 : i32
      %mul3A_52 = arith.constant 640 : i32
      %mul3A_53 = arith.muli %arg1, %mul3A_52 : i32
      %mul3A_54 = arith.constant 80 : i32
      %mul3A_55 = arith.muli %add3A_51, %mul3A_54 : i32
      %add3A_56 = arith.addi %mul3A_53, %mul3A_55 : i32
      %dma_start3A_57 = arith.constant 0 : i32
      %dma_start3A_58 = tpu.memref_slice %arg10[%add3A_56, %dma_start3A_57] : memref<10240x128xf32, #tpu.memory_space<vmem_shared>> -> memref<80x128xf32, #tpu.memory_space<vmem_shared>>
      %dma_start3A_59 = arith.constant 0 : i32
      %dma_start3A_60 = tpu.memref_slice %arg10[%add3A_56, %dma_start3A_59] : memref<10240x128xf32, #tpu.memory_space<vmem_shared>> -> memref<80x128xf32, #tpu.memory_space<vmem_shared>>
      tpu.enqueue_dma source(%arg8 : memref<80x128xf32, #tpu.memory_space<vmem>>) target(%dma_start3A_60 : memref<80x128xf32, #tpu.memory_space<vmem_shared>>) target_semaphore(%arg11 : memref<!tpu.dma_semaphore, #tpu.memory_space<semaphore_mem>>)
    }
    %scan3A_16 = arith.constant 8 : i32
    %scan3A_17 = arith.constant 0 : i32
    %scan3A_18 = arith.constant 8 : i32
    %scan3A_19 = arith.addi %scan3A_17, %scan3A_18 : i32
    %scan3A_20 = arith.constant 1 : i32
    scf.for %scan3A_47 = %scan3A_17 to %scan3A_19 step %scan3A_20  : i32 {
      %mul3A_48 = arith.constant 1 : i32
      %mul3A_49 = arith.muli %scan3A_47, %mul3A_48 : i32
      %add3A_50 = arith.constant 0 : i32
      %add3A_51 = arith.addi %add3A_50, %mul3A_49 : i32
      %mul3A_52 = arith.constant 640 : i32
      %mul3A_53 = arith.muli %arg1, %mul3A_52 : i32
      %mul3A_54 = arith.constant 80 : i32
      %mul3A_55 = arith.muli %add3A_51, %mul3A_54 : i32
      %add3A_56 = arith.addi %mul3A_53, %mul3A_55 : i32
      %dma_wait3A_57 = arith.constant 0 : i32
      %dma_wait3A_58 = tpu.memref_slice %arg10[%add3A_56, %dma_wait3A_57] : memref<10240x128xf32, #tpu.memory_space<vmem_shared>> -> memref<80x128xf32, #tpu.memory_space<vmem_shared>>
      %dma_wait3A_59 = arith.constant 0 : i32
      %dma_wait3A_60 = tpu.memref_slice %arg10[%add3A_56, %dma_wait3A_59] : memref<10240x128xf32, #tpu.memory_space<vmem_shared>> -> memref<80x128xf32, #tpu.memory_space<vmem_shared>>
      tpu.wait_dma2 semaphore(%arg11 : memref<!tpu.dma_semaphore, #tpu.memory_space<semaphore_mem>>) src(%arg8 : memref<80x128xf32, #tpu.memory_space<vmem>>) dst(%dma_wait3A_60 : memref<80x128xf32, #tpu.memory_space<vmem_shared>>)
    }
    %scan3A_21 = arith.constant 8 : i32
    %mul3A_22 = arith.constant 10000 : i32
    %mul3A_23 = arith.muli %add3A, %mul3A_22 : i32
    %dma_wait3A = tpu.memref_slice %arg3[%mul3A_23] : memref<320000xi32, #tpu.memory_space<hbm>> -> memref<10000xi32, #tpu.memory_space<hbm>>
    %dma_wait3A_24 = tpu.memref_slice %arg3[%mul3A_23] : memref<320000xi32, #tpu.memory_space<hbm>> -> memref<10000xi32, #tpu.memory_space<hbm>>
    tpu.wait_dma2 semaphore(%arg12 : memref<!tpu.dma_semaphore, #tpu.memory_space<semaphore_mem>>) src(%dma_wait3A_24 : memref<10000xi32, #tpu.memory_space<hbm>>) dst(%arg6 : memref<10000xi32, #tpu.memory_space<vmem>>)
    %mul3A_25 = arith.constant 10000 : i32
    %mul3A_26 = arith.muli %add3A, %mul3A_25 : i32
    %dma_wait3A_27 = tpu.memref_slice %arg4[%mul3A_26] : memref<320000xi32, #tpu.memory_space<hbm>> -> memref<10000xi32, #tpu.memory_space<hbm>>
    %dma_wait3A_28 = tpu.memref_slice %arg4[%mul3A_26] : memref<320000xi32, #tpu.memory_space<hbm>> -> memref<10000xi32, #tpu.memory_space<hbm>>
    tpu.wait_dma2 semaphore(%arg12 : memref<!tpu.dma_semaphore, #tpu.memory_space<semaphore_mem>>) src(%dma_wait3A_28 : memref<10000xi32, #tpu.memory_space<hbm>>) dst(%arg7 : memref<10000xi32, #tpu.memory_space<vmem>>)
    %barrier3A = arith.constant 0 : index
    tpu.barrier barrier_id(%barrier3A)
    %dma_start3A_29 = arith.constant 0 : i32
    %dma_start3A_30 = tpu.memref_slice %arg6[%dma_start3A_29] : memref<10000xi32, #tpu.memory_space<vmem>> -> memref<80xi32, #tpu.memory_space<vmem>>
    %dma_start3A_31 = arith.constant 0 : i32
    %dma_start3A_32 = arith.constant 0 : i32
    %dma_start3A_33 = tpu.memref_slice %arg2[%dma_start3A_31, %dma_start3A_32] : memref<10000x128xf32, #tpu.memory_space<hbm>> -> memref<10000x128xf32, #tpu.memory_space<hbm>>
    tpu.enqueue_indirect_dma source(%dma_start3A_33 : memref<10000x128xf32, #tpu.memory_space<hbm>>) target(%arg8 : memref<80x128xf32, #tpu.memory_space<vmem>>) offsets(%dma_start3A_30 : memref<80xi32, #tpu.memory_space<vmem>>) semaphore(%arg11 : memref<!tpu.dma_semaphore, #tpu.memory_space<semaphore_mem>>)
    %scan3A_34 = arith.constant 0 : i32
    %scan3A_35 = arith.constant 62 : i32
    %scan3A_36 = arith.addi %scan3A_34, %scan3A_35 : i32
    %scan3A_37 = arith.constant 1 : i32
    scf.for %scan3A_47 = %scan3A_34 to %scan3A_36 step %scan3A_37  : i32 {
      %mul3A_48 = arith.constant 1 : i32
      %mul3A_49 = arith.muli %scan3A_47, %mul3A_48 : i32
      %add3A_50 = arith.constant 0 : i32
      %add3A_51 = arith.addi %add3A_50, %mul3A_49 : i32
      %mul3A_52 = arith.constant 2 : i32
      %mul3A_53 = arith.muli %mul3A_52, %add3A_51 : i32
      %add3A_54 = arith.constant 1 : i32
      %add3A_55 = arith.addi %mul3A_53, %add3A_54 : i32
      %mul3A_56 = arith.constant 80 : i32
      %mul3A_57 = arith.muli %add3A_55, %mul3A_56 : i32
      %dma_start3A_58 = tpu.memref_slice %arg6[%mul3A_57] : memref<10000xi32, #tpu.memory_space<vmem>> -> memref<80xi32, #tpu.memory_space<vmem>>
      %dma_start3A_59 = arith.constant 0 : i32
      %dma_start3A_60 = arith.constant 0 : i32
      %dma_start3A_61 = tpu.memref_slice %arg2[%dma_start3A_59, %dma_start3A_60] : memref<10000x128xf32, #tpu.memory_space<hbm>> -> memref<10000x128xf32, #tpu.memory_space<hbm>>
      tpu.enqueue_indirect_dma source(%dma_start3A_61 : memref<10000x128xf32, #tpu.memory_space<hbm>>) target(%arg9 : memref<80x128xf32, #tpu.memory_space<vmem>>) offsets(%dma_start3A_58 : memref<80xi32, #tpu.memory_space<vmem>>) semaphore(%arg12 : memref<!tpu.dma_semaphore, #tpu.memory_space<semaphore_mem>>)
      %mul3A_62 = arith.constant 80 : i32
      %mul3A_63 = arith.muli %mul3A_53, %mul3A_62 : i32
      %dma_wait3A_64 = tpu.memref_slice %arg6[%mul3A_63] : memref<10000xi32, #tpu.memory_space<vmem>> -> memref<80xi32, #tpu.memory_space<vmem>>
      %dma_wait3A_65 = arith.constant 0 : i32
      %dma_wait3A_66 = arith.constant 0 : i32
      %dma_wait3A_67 = tpu.memref_slice %arg2[%dma_wait3A_65, %dma_wait3A_66] : memref<10000x128xf32, #tpu.memory_space<hbm>> -> memref<10000x128xf32, #tpu.memory_space<hbm>>
      tpu.wait_indirect_dma semaphore(%arg11 : memref<!tpu.dma_semaphore, #tpu.memory_space<semaphore_mem>>) src(%dma_wait3A_67 : memref<10000x128xf32, #tpu.memory_space<hbm>>) dst(%arg8 : memref<80x128xf32, #tpu.memory_space<vmem>>)
      %mul3A_68 = arith.constant 80 : i32
      %mul3A_69 = arith.muli %mul3A_53, %mul3A_68 : i32
      "tpu.region"() ({
        %run_scoped3A = tpu.sem_alloc : memref<!tpu.dma_semaphore, #tpu.memory_space<semaphore_mem>>
        %dma_start3A_84 = tpu.memref_slice %arg7[%mul3A_69] : memref<10000xi32, #tpu.memory_space<vmem>> -> memref<80xi32, #tpu.memory_space<vmem>>
        %dma_start3A_85 = arith.constant 0 : i32
        %dma_start3A_86 = arith.constant 0 : i32
        %dma_start3A_87 = tpu.memref_slice %arg10[%dma_start3A_85, %dma_start3A_86] : memref<10240x128xf32, #tpu.memory_space<vmem_shared>> -> memref<10240x128xf32, #tpu.memory_space<vmem_shared>>
        tpu.enqueue_indirect_dma source(%arg8 : memref<80x128xf32, #tpu.memory_space<vmem>>) target(%dma_start3A_87 : memref<10240x128xf32, #tpu.memory_space<vmem_shared>>) offsets(%dma_start3A_84 : memref<80xi32, #tpu.memory_space<vmem>>) semaphore(%run_scoped3A : memref<!tpu.dma_semaphore, #tpu.memory_space<semaphore_mem>>) {add = true}
        %dma_wait3A_88 = tpu.memref_slice %arg7[%mul3A_69] : memref<10000xi32, #tpu.memory_space<vmem>> -> memref<80xi32, #tpu.memory_space<vmem>>
        %dma_wait3A_89 = arith.constant 0 : i32
        %dma_wait3A_90 = arith.constant 0 : i32
        %dma_wait3A_91 = tpu.memref_slice %arg10[%dma_wait3A_89, %dma_wait3A_90] : memref<10240x128xf32, #tpu.memory_space<vmem_shared>> -> memref<10240x128xf32, #tpu.memory_space<vmem_shared>>
        tpu.wait_indirect_dma semaphore(%run_scoped3A : memref<!tpu.dma_semaphore, #tpu.memory_space<semaphore_mem>>) src(%arg8 : memref<80x128xf32, #tpu.memory_space<vmem>>) dst(%dma_wait3A_91 : memref<10240x128xf32, #tpu.memory_space<vmem_shared>>)
        tpu.yield
      }) : () -> ()
      %add3A_70 = arith.constant 1 : i32
      %add3A_71 = arith.addi %add3A_55, %add3A_70 : i32
      %mul3A_72 = arith.constant 80 : i32
      %mul3A_73 = arith.muli %add3A_71, %mul3A_72 : i32
      %dma_start3A_74 = tpu.memref_slice %arg6[%mul3A_73] : memref<10000xi32, #tpu.memory_space<vmem>> -> memref<80xi32, #tpu.memory_space<vmem>>
      %dma_start3A_75 = arith.constant 0 : i32
      %dma_start3A_76 = arith.constant 0 : i32
      %dma_start3A_77 = tpu.memref_slice %arg2[%dma_start3A_75, %dma_start3A_76] : memref<10000x128xf32, #tpu.memory_space<hbm>> -> memref<10000x128xf32, #tpu.memory_space<hbm>>
      tpu.enqueue_indirect_dma source(%dma_start3A_77 : memref<10000x128xf32, #tpu.memory_space<hbm>>) target(%arg8 : memref<80x128xf32, #tpu.memory_space<vmem>>) offsets(%dma_start3A_74 : memref<80xi32, #tpu.memory_space<vmem>>) semaphore(%arg11 : memref<!tpu.dma_semaphore, #tpu.memory_space<semaphore_mem>>)
      %dma_wait3A_78 = tpu.memref_slice %arg6[%mul3A_57] : memref<10000xi32, #tpu.memory_space<vmem>> -> memref<80xi32, #tpu.memory_space<vmem>>
      %dma_wait3A_79 = arith.constant 0 : i32
      %dma_wait3A_80 = arith.constant 0 : i32
      %dma_wait3A_81 = tpu.memref_slice %arg2[%dma_wait3A_79, %dma_wait3A_80] : memref<10000x128xf32, #tpu.memory_space<hbm>> -> memref<10000x128xf32, #tpu.memory_space<hbm>>
      tpu.wait_indirect_dma semaphore(%arg12 : memref<!tpu.dma_semaphore, #tpu.memory_space<semaphore_mem>>) src(%dma_wait3A_81 : memref<10000x128xf32, #tpu.memory_space<hbm>>) dst(%arg9 : memref<80x128xf32, #tpu.memory_space<vmem>>)
      %mul3A_82 = arith.constant 80 : i32
      %mul3A_83 = arith.muli %add3A_55, %mul3A_82 : i32
      "tpu.region"() ({
        %run_scoped3A = tpu.sem_alloc : memref<!tpu.dma_semaphore, #tpu.memory_space<semaphore_mem>>
        %dma_start3A_84 = tpu.memref_slice %arg7[%mul3A_83] : memref<10000xi32, #tpu.memory_space<vmem>> -> memref<80xi32, #tpu.memory_space<vmem>>
        %dma_start3A_85 = arith.constant 0 : i32
        %dma_start3A_86 = arith.constant 0 : i32
        %dma_start3A_87 = tpu.memref_slice %arg10[%dma_start3A_85, %dma_start3A_86] : memref<10240x128xf32, #tpu.memory_space<vmem_shared>> -> memref<10240x128xf32, #tpu.memory_space<vmem_shared>>
        tpu.enqueue_indirect_dma source(%arg9 : memref<80x128xf32, #tpu.memory_space<vmem>>) target(%dma_start3A_87 : memref<10240x128xf32, #tpu.memory_space<vmem_shared>>) offsets(%dma_start3A_84 : memref<80xi32, #tpu.memory_space<vmem>>) semaphore(%run_scoped3A : memref<!tpu.dma_semaphore, #tpu.memory_space<semaphore_mem>>) {add = true}
        %dma_wait3A_88 = tpu.memref_slice %arg7[%mul3A_83] : memref<10000xi32, #tpu.memory_space<vmem>> -> memref<80xi32, #tpu.memory_space<vmem>>
        %dma_wait3A_89 = arith.constant 0 : i32
        %dma_wait3A_90 = arith.constant 0 : i32
        %dma_wait3A_91 = tpu.memref_slice %arg10[%dma_wait3A_89, %dma_wait3A_90] : memref<10240x128xf32, #tpu.memory_space<vmem_shared>> -> memref<10240x128xf32, #tpu.memory_space<vmem_shared>>
        tpu.wait_indirect_dma semaphore(%run_scoped3A : memref<!tpu.dma_semaphore, #tpu.memory_space<semaphore_mem>>) src(%arg9 : memref<80x128xf32, #tpu.memory_space<vmem>>) dst(%dma_wait3A_91 : memref<10240x128xf32, #tpu.memory_space<vmem_shared>>)
        tpu.yield
      }) : () -> ()
    }
    %scan3A_38 = arith.constant 62 : i32
    %dma_wait3A_39 = arith.constant 9920 : i32
    %dma_wait3A_40 = tpu.memref_slice %arg6[%dma_wait3A_39] : memref<10000xi32, #tpu.memory_space<vmem>> -> memref<80xi32, #tpu.memory_space<vmem>>
    %dma_wait3A_41 = arith.constant 0 : i32
    %dma_wait3A_42 = arith.constant 0 : i32
    %dma_wait3A_43 = tpu.memref_slice %arg2[%dma_wait3A_41, %dma_wait3A_42] : memref<10000x128xf32, #tpu.memory_space<hbm>> -> memref<10000x128xf32, #tpu.memory_space<hbm>>
    tpu.wait_indirect_dma semaphore(%arg11 : memref<!tpu.dma_semaphore, #tpu.memory_space<semaphore_mem>>) src(%dma_wait3A_43 : memref<10000x128xf32, #tpu.memory_space<hbm>>) dst(%arg8 : memref<80x128xf32, #tpu.memory_space<vmem>>)
    "tpu.region"() ({
      %run_scoped3A = tpu.sem_alloc : memref<!tpu.dma_semaphore, #tpu.memory_space<semaphore_mem>>
      %dma_start3A_47 = arith.constant 9920 : i32
      %dma_start3A_48 = tpu.memref_slice %arg7[%dma_start3A_47] : memref<10000xi32, #tpu.memory_space<vmem>> -> memref<80xi32, #tpu.memory_space<vmem>>
      %dma_start3A_49 = arith.constant 0 : i32
      %dma_start3A_50 = arith.constant 0 : i32
      %dma_start3A_51 = tpu.memref_slice %arg10[%dma_start3A_49, %dma_start3A_50] : memref<10240x128xf32, #tpu.memory_space<vmem_shared>> -> memref<10240x128xf32, #tpu.memory_space<vmem_shared>>
      tpu.enqueue_indirect_dma source(%arg8 : memref<80x128xf32, #tpu.memory_space<vmem>>) target(%dma_start3A_51 : memref<10240x128xf32, #tpu.memory_space<vmem_shared>>) offsets(%dma_start3A_48 : memref<80xi32, #tpu.memory_space<vmem>>) semaphore(%run_scoped3A : memref<!tpu.dma_semaphore, #tpu.memory_space<semaphore_mem>>) {add = true}
      %dma_wait3A_52 = arith.constant 9920 : i32
      %dma_wait3A_53 = tpu.memref_slice %arg7[%dma_wait3A_52] : memref<10000xi32, #tpu.memory_space<vmem>> -> memref<80xi32, #tpu.memory_space<vmem>>
      %dma_wait3A_54 = arith.constant 0 : i32
      %dma_wait3A_55 = arith.constant 0 : i32
      %dma_wait3A_56 = tpu.memref_slice %arg10[%dma_wait3A_54, %dma_wait3A_55] : memref<10240x128xf32, #tpu.memory_space<vmem_shared>> -> memref<10240x128xf32, #tpu.memory_space<vmem_shared>>
      tpu.wait_indirect_dma semaphore(%run_scoped3A : memref<!tpu.dma_semaphore, #tpu.memory_space<semaphore_mem>>) src(%arg8 : memref<80x128xf32, #tpu.memory_space<vmem>>) dst(%dma_wait3A_56 : memref<10240x128xf32, #tpu.memory_space<vmem_shared>>)
      tpu.yield
    }) : () -> ()
    %barrier3A_44 = arith.constant 0 : index
    tpu.barrier barrier_id(%barrier3A_44)
    %mul3A_45 = arith.constant 640 : i32
    %mul3A_46 = arith.muli %arg1, %mul3A_45 : i32
    "tpu.region"() ({
      %run_scoped3A = tpu.sem_alloc : memref<!tpu.dma_semaphore, #tpu.memory_space<semaphore_mem>>
      %dma_start3A_47 = arith.constant 0 : i32
      %dma_start3A_48 = tpu.memref_slice %arg5[%arg0, %mul3A_46, %dma_start3A_47] : memref<2x10240x128xf32, #tpu.memory_space<hbm>> -> memref<1x640x128xf32, #tpu.memory_space<hbm>>
      %dma_start3A_49 = tpu.memref_squeeze %dma_start3A_48 : memref<1x640x128xf32, #tpu.memory_space<hbm>> -> memref<640x128xf32, #tpu.memory_space<hbm>>
      %dma_start3A_50 = arith.constant 0 : i32
      %dma_start3A_51 = tpu.memref_slice %arg10[%mul3A_46, %dma_start3A_50] : memref<10240x128xf32, #tpu.memory_space<vmem_shared>> -> memref<640x128xf32, #tpu.memory_space<vmem_shared>>
      tpu.enqueue_dma source(%dma_start3A_51 : memref<640x128xf32, #tpu.memory_space<vmem_shared>>) target(%dma_start3A_49 : memref<640x128xf32, #tpu.memory_space<hbm>>) target_semaphore(%run_scoped3A : memref<!tpu.dma_semaphore, #tpu.memory_space<semaphore_mem>>)
      %dma_wait3A_52 = arith.constant 0 : i32
      %dma_wait3A_53 = tpu.memref_slice %arg5[%arg0, %mul3A_46, %dma_wait3A_52] : memref<2x10240x128xf32, #tpu.memory_space<hbm>> -> memref<1x640x128xf32, #tpu.memory_space<hbm>>
      %dma_wait3A_54 = tpu.memref_squeeze %dma_wait3A_53 : memref<1x640x128xf32, #tpu.memory_space<hbm>> -> memref<640x128xf32, #tpu.memory_space<hbm>>
      %dma_wait3A_55 = arith.constant 0 : i32
      %dma_wait3A_56 = tpu.memref_slice %arg10[%mul3A_46, %dma_wait3A_55] : memref<10240x128xf32, #tpu.memory_space<vmem_shared>> -> memref<640x128xf32, #tpu.memory_space<vmem_shared>>
      tpu.wait_dma2 semaphore(%run_scoped3A : memref<!tpu.dma_semaphore, #tpu.memory_space<semaphore_mem>>) src(%dma_wait3A_56 : memref<640x128xf32, #tpu.memory_space<vmem_shared>>) dst(%dma_wait3A_54 : memref<640x128xf32, #tpu.memory_space<hbm>>)
      tpu.yield
    }) : () -> ()
    return
  }
}

#map = affine_map<(d0, d1) -> (0, 0)>
#map1 = affine_map<(d0, d1) -> (0)>
#map2 = affine_map<(d0, d1) -> (0, 0, 0)>
module attributes {stable_mosaic.version = 14 : i64} {
  func.func @_scatter_body(%arg0: i32, %arg1: i32, %arg2: memref<10000x128xf32, #tpu.memory_space<hbm>>, %arg3: memref<320000xi32, #tpu.memory_space<hbm>>, %arg4: memref<320000xi32, #tpu.memory_space<hbm>>, %arg5: memref<2x10240x128xf32, #tpu.memory_space<hbm>>, %arg6: memref<10000xi32, #tpu.memory_space<vmem>>, %arg7: memref<10000xi32, #tpu.memory_space<vmem>>, %arg8: memref<80x128xf32, #tpu.memory_space<vmem>>, %arg9: memref<80x128xf32, #tpu.memory_space<vmem>>, %arg10: memref<10240x128xf32, #tpu.memory_space<vmem_shared>>, %arg11: memref<!tpu.dma_semaphore, #tpu.memory_space<semaphore_mem>>, %arg12: memref<!tpu.dma_semaphore, #tpu.memory_space<semaphore_mem>>) attributes {dimension_semantics = [#tpu.dimension_semantics<core_parallel>, #tpu.dimension_semantics<subcore_parallel>], iteration_bounds = array<i64: 2, 16>, scalar_prefetch = 0 : i64, scratch_operands = 7 : i64, tpu.core_type = #tpu.core_type<sc_vector_subcore>, window_params = [{transform_indices = #map}, {transform_indices = #map1}, {transform_indices = #map1}, {transform_indices = #map2}]} {
    %mul3A = arith.constant 2 : i32
    %mul3A_0 = arith.muli %arg1, %mul3A : i32
    %add3A = arith.addi %mul3A_0, %arg0 : i32
    %scan3A = arith.constant 0 : i32
    %scan3A_1 = arith.constant 80 : i32
    %scan3A_2 = arith.addi %scan3A, %scan3A_1 : i32
    %scan3A_3 = arith.constant 1 : i32
    scf.for %scan3A_47 = %scan3A to %scan3A_2 step %scan3A_3  : i32 {
      %mul3A_48 = arith.constant 1 : i32
      %mul3A_49 = arith.muli %scan3A_47, %mul3A_48 : i32
      %add3A_50 = arith.constant 0 : i32
      %add3A_51 = arith.addi %add3A_50, %mul3A_49 : i32
      %scan3A_52 = arith.constant 0 : i32
      %scan3A_53 = arith.constant 8 : i32
      %scan3A_54 = arith.addi %scan3A_52, %scan3A_53 : i32
      %scan3A_55 = arith.constant 1 : i32
      scf.for %scan3A_57 = %scan3A_52 to %scan3A_54 step %scan3A_55  : i32 {
        %mul3A_58 = arith.constant 1 : i32
        %mul3A_59 = arith.muli %scan3A_57, %mul3A_58 : i32
        %add3A_60 = arith.constant 0 : i32
        %add3A_61 = arith.addi %add3A_60, %mul3A_59 : i32
        %broadcast_in_dim3A = arith.constant 0.000000e+00 : f32
        %broadcast_in_dim3A_62 = vector.broadcast %broadcast_in_dim3A : f32 to vector<16xf32>
        %mul3A_63 = arith.constant 16 : i32
        %mul3A_64 = arith.muli %add3A_61, %mul3A_63 : i32
        %swap3A = arith.index_cast %add3A_51 : i32 to index
        %swap3A_65 = arith.index_cast %mul3A_64 : i32 to index
        %swap3A_66 = tpu.vector_load %arg8[%swap3A, %swap3A_65] {strides = array<i32>} : memref<80x128xf32, #tpu.memory_space<vmem>>, vector<1x16xf32>,
        %swap3A_67 = vector.shape_cast %swap3A_66 : vector<1x16xf32> to vector<16xf32>
        %swap3A_68 = vector.shape_cast %broadcast_in_dim3A_62 : vector<16xf32> to vector<1x16xf32>
        tpu.vector_store %arg8[%swap3A, %swap3A_65], %swap3A_68 {strides = array<i32>} : memref<80x128xf32, #tpu.memory_space<vmem>>, vector<1x16xf32>,
      }
      %scan3A_56 = arith.constant 8 : i32
    }
    %scan3A_4 = arith.constant 80 : i32
    %mul3A_5 = arith.constant 10000 : i32
    %mul3A_6 = arith.muli %add3A, %mul3A_5 : i32
    %dma_start3A = tpu.memref_slice %arg3[%mul3A_6] : memref<320000xi32, #tpu.memory_space<hbm>> -> memref<10000xi32, #tpu.memory_space<hbm>>
    %dma_start3A_7 = tpu.memref_slice %arg3[%mul3A_6] : memref<320000xi32, #tpu.memory_space<hbm>> -> memref<10000xi32, #tpu.memory_space<hbm>>
    tpu.enqueue_dma source(%dma_start3A_7 : memref<10000xi32, #tpu.memory_space<hbm>>) target(%arg6 : memref<10000xi32, #tpu.memory_space<vmem>>) target_semaphore(%arg12 : memref<!tpu.dma_semaphore, #tpu.memory_space<semaphore_mem>>)
    %mul3A_8 = arith.constant 10000 : i32
    %mul3A_9 = arith.muli %add3A, %mul3A_8 : i32
    %dma_start3A_10 = tpu.memref_slice %arg4[%mul3A_9] : memref<320000xi32, #tpu.memory_space<hbm>> -> memref<10000xi32, #tpu.memory_space<hbm>>
    %dma_start3A_11 = tpu.memref_slice %arg4[%mul3A_9] : memref<320000xi32, #tpu.memory_space<hbm>> -> memref<10000xi32, #tpu.memory_space<hbm>>
    tpu.enqueue_dma source(%dma_start3A_11 : memref<10000xi32, #tpu.memory_space<hbm>>) target(%arg7 : memref<10000xi32, #tpu.memory_space<vmem>>) target_semaphore(%arg12 : memref<!tpu.dma_semaphore, #tpu.memory_space<semaphore_mem>>)
    %scan3A_12 = arith.constant 0 : i32
    %scan3A_13 = arith.constant 8 : i32
    %scan3A_14 = arith.addi %scan3A_12, %scan3A_13 : i32
    %scan3A_15 = arith.constant 1 : i32
    scf.for %scan3A_47 = %scan3A_12 to %scan3A_14 step %scan3A_15  : i32 {
      %mul3A_48 = arith.constant 1 : i32
      %mul3A_49 = arith.muli %scan3A_47, %mul3A_48 : i32
      %add3A_50 = arith.constant 0 : i32
      %add3A_51 = arith.addi %add3A_50, %mul3A_49 : i32
      %mul3A_52 = arith.constant 640 : i32
      %mul3A_53 = arith.muli %arg1, %mul3A_52 : i32
      %mul3A_54 = arith.constant 80 : i32
      %mul3A_55 = arith.muli %add3A_51, %mul3A_54 : i32
      %add3A_56 = arith.addi %mul3A_53, %mul3A_55 : i32
      %dma_start3A_57 = arith.constant 0 : i32
      %dma_start3A_58 = tpu.memref_slice %arg10[%add3A_56, %dma_start3A_57] : memref<10240x128xf32, #tpu.memory_space<vmem_shared>> -> memref<80x128xf32, #tpu.memory_space<vmem_shared>>
      %dma_start3A_59 = arith.constant 0 : i32
      %dma_start3A_60 = tpu.memref_slice %arg10[%add3A_56, %dma_start3A_59] : memref<10240x128xf32, #tpu.memory_space<vmem_shared>> -> memref<80x128xf32, #tpu.memory_space<vmem_shared>>
      tpu.enqueue_dma source(%arg8 : memref<80x128xf32, #tpu.memory_space<vmem>>) target(%dma_start3A_60 : memref<80x128xf32, #tpu.memory_space<vmem_shared>>) target_semaphore(%arg11 : memref<!tpu.dma_semaphore, #tpu.memory_space<semaphore_mem>>)
    }
    %scan3A_16 = arith.constant 8 : i32
    %scan3A_17 = arith.constant 0 : i32
    %scan3A_18 = arith.constant 8 : i32
    %scan3A_19 = arith.addi %scan3A_17, %scan3A_18 : i32
    %scan3A_20 = arith.constant 1 : i32
    scf.for %scan3A_47 = %scan3A_17 to %scan3A_19 step %scan3A_20  : i32 {
      %mul3A_48 = arith.constant 1 : i32
      %mul3A_49 = arith.muli %scan3A_47, %mul3A_48 : i32
      %add3A_50 = arith.constant 0 : i32
      %add3A_51 = arith.addi %add3A_50, %mul3A_49 : i32
      %mul3A_52 = arith.constant 640 : i32
      %mul3A_53 = arith.muli %arg1, %mul3A_52 : i32
      %mul3A_54 = arith.constant 80 : i32
      %mul3A_55 = arith.muli %add3A_51, %mul3A_54 : i32
      %add3A_56 = arith.addi %mul3A_53, %mul3A_55 : i32
      %dma_wait3A_57 = arith.constant 0 : i32
      %dma_wait3A_58 = tpu.memref_slice %arg10[%add3A_56, %dma_wait3A_57] : memref<10240x128xf32, #tpu.memory_space<vmem_shared>> -> memref<80x128xf32, #tpu.memory_space<vmem_shared>>
      %dma_wait3A_59 = arith.constant 0 : i32
      %dma_wait3A_60 = tpu.memref_slice %arg10[%add3A_56, %dma_wait3A_59] : memref<10240x128xf32, #tpu.memory_space<vmem_shared>> -> memref<80x128xf32, #tpu.memory_space<vmem_shared>>
      tpu.wait_dma2 semaphore(%arg11 : memref<!tpu.dma_semaphore, #tpu.memory_space<semaphore_mem>>) src(%arg8 : memref<80x128xf32, #tpu.memory_space<vmem>>) dst(%dma_wait3A_60 : memref<80x128xf32, #tpu.memory_space<vmem_shared>>)
    }
    %scan3A_21 = arith.constant 8 : i32
    %mul3A_22 = arith.constant 10000 : i32
    %mul3A_23 = arith.muli %add3A, %mul3A_22 : i32
    %dma_wait3A = tpu.memref_slice %arg3[%mul3A_23] : memref<320000xi32, #tpu.memory_space<hbm>> -> memref<10000xi32, #tpu.memory_space<hbm>>
    %dma_wait3A_24 = tpu.memref_slice %arg3[%mul3A_23] : memref<320000xi32, #tpu.memory_space<hbm>> -> memref<10000xi32, #tpu.memory_space<hbm>>
    tpu.wait_dma2 semaphore(%arg12 : memref<!tpu.dma_semaphore, #tpu.memory_space<semaphore_mem>>) src(%dma_wait3A_24 : memref<10000xi32, #tpu.memory_space<hbm>>) dst(%arg6 : memref<10000xi32, #tpu.memory_space<vmem>>)
    %mul3A_25 = arith.constant 10000 : i32
    %mul3A_26 = arith.muli %add3A, %mul3A_25 : i32
    %dma_wait3A_27 = tpu.memref_slice %arg4[%mul3A_26] : memref<320000xi32, #tpu.memory_space<hbm>> -> memref<10000xi32, #tpu.memory_space<hbm>>
    %dma_wait3A_28 = tpu.memref_slice %arg4[%mul3A_26] : memref<320000xi32, #tpu.memory_space<hbm>> -> memref<10000xi32, #tpu.memory_space<hbm>>
    tpu.wait_dma2 semaphore(%arg12 : memref<!tpu.dma_semaphore, #tpu.memory_space<semaphore_mem>>) src(%dma_wait3A_28 : memref<10000xi32, #tpu.memory_space<hbm>>) dst(%arg7 : memref<10000xi32, #tpu.memory_space<vmem>>)
    %barrier3A = arith.constant 0 : index
    tpu.barrier barrier_id(%barrier3A)
    %dma_start3A_29 = arith.constant 0 : i32
    %dma_start3A_30 = tpu.memref_slice %arg6[%dma_start3A_29] : memref<10000xi32, #tpu.memory_space<vmem>> -> memref<80xi32, #tpu.memory_space<vmem>>
    %dma_start3A_31 = arith.constant 0 : i32
    %dma_start3A_32 = arith.constant 0 : i32
    %dma_start3A_33 = tpu.memref_slice %arg2[%dma_start3A_31, %dma_start3A_32] : memref<10000x128xf32, #tpu.memory_space<hbm>> -> memref<10000x128xf32, #tpu.memory_space<hbm>>
    tpu.enqueue_indirect_dma source(%dma_start3A_33 : memref<10000x128xf32, #tpu.memory_space<hbm>>) target(%arg8 : memref<80x128xf32, #tpu.memory_space<vmem>>) offsets(%dma_start3A_30 : memref<80xi32, #tpu.memory_space<vmem>>) semaphore(%arg11 : memref<!tpu.dma_semaphore, #tpu.memory_space<semaphore_mem>>)
    %scan3A_34 = arith.constant 0 : i32
    %scan3A_35 = arith.constant 62 : i32
    %scan3A_36 = arith.addi %scan3A_34, %scan3A_35 : i32
    %scan3A_37 = arith.constant 1 : i32
    scf.for %scan3A_47 = %scan3A_34 to %scan3A_36 step %scan3A_37  : i32 {
      %mul3A_48 = arith.constant 1 : i32
      %mul3A_49 = arith.muli %scan3A_47, %mul3A_48 : i32
      %add3A_50 = arith.constant 0 : i32
      %add3A_51 = arith.addi %add3A_50, %mul3A_49 : i32
      %mul3A_52 = arith.constant 2 : i32
      %mul3A_53 = arith.muli %mul3A_52, %add3A_51 : i32
      %add3A_54 = arith.constant 1 : i32
      %add3A_55 = arith.addi %mul3A_53, %add3A_54 : i32
      %mul3A_56 = arith.constant 80 : i32
      %mul3A_57 = arith.muli %add3A_55, %mul3A_56 : i32
      %dma_start3A_58 = tpu.memref_slice %arg6[%mul3A_57] : memref<10000xi32, #tpu.memory_space<vmem>> -> memref<80xi32, #tpu.memory_space<vmem>>
      %dma_start3A_59 = arith.constant 0 : i32
      %dma_start3A_60 = arith.constant 0 : i32
      %dma_start3A_61 = tpu.memref_slice %arg2[%dma_start3A_59, %dma_start3A_60] : memref<10000x128xf32, #tpu.memory_space<hbm>> -> memref<10000x128xf32, #tpu.memory_space<hbm>>
      tpu.enqueue_indirect_dma source(%dma_start3A_61 : memref<10000x128xf32, #tpu.memory_space<hbm>>) target(%arg9 : memref<80x128xf32, #tpu.memory_space<vmem>>) offsets(%dma_start3A_58 : memref<80xi32, #tpu.memory_space<vmem>>) semaphore(%arg12 : memref<!tpu.dma_semaphore, #tpu.memory_space<semaphore_mem>>)
      %mul3A_62 = arith.constant 80 : i32
      %mul3A_63 = arith.muli %mul3A_53, %mul3A_62 : i32
      %dma_wait3A_64 = tpu.memref_slice %arg6[%mul3A_63] : memref<10000xi32, #tpu.memory_space<vmem>> -> memref<80xi32, #tpu.memory_space<vmem>>
      %dma_wait3A_65 = arith.constant 0 : i32
      %dma_wait3A_66 = arith.constant 0 : i32
      %dma_wait3A_67 = tpu.memref_slice %arg2[%dma_wait3A_65, %dma_wait3A_66] : memref<10000x128xf32, #tpu.memory_space<hbm>> -> memref<10000x128xf32, #tpu.memory_space<hbm>>
      tpu.wait_indirect_dma semaphore(%arg11 : memref<!tpu.dma_semaphore, #tpu.memory_space<semaphore_mem>>) src(%dma_wait3A_67 : memref<10000x128xf32, #tpu.memory_space<hbm>>) dst(%arg8 : memref<80x128xf32, #tpu.memory_space<vmem>>)
      %mul3A_68 = arith.constant 80 : i32
      %mul3A_69 = arith.muli %mul3A_53, %mul3A_68 : i32
      "tpu.region"() ({
        %run_scoped3A = tpu.sem_alloc : memref<!tpu.dma_semaphore, #tpu.memory_space<semaphore_mem>>
        %dma_start3A_84 = tpu.memref_slice %arg7[%mul3A_69] : memref<10000xi32, #tpu.memory_space<vmem>> -> memref<80xi32, #tpu.memory_space<vmem>>
        %dma_start3A_85 = arith.constant 0 : i32
        %dma_start3A_86 = arith.constant 0 : i32
        %dma_start3A_87 = tpu.memref_slice %arg10[%dma_start3A_85, %dma_start3A_86] : memref<10240x128xf32, #tpu.memory_space<vmem_shared>> -> memref<10240x128xf32, #tpu.memory_space<vmem_shared>>
        tpu.enqueue_indirect_dma source(%arg8 : memref<80x128xf32, #tpu.memory_space<vmem>>) target(%dma_start3A_87 : memref<10240x128xf32, #tpu.memory_space<vmem_shared>>) offsets(%dma_start3A_84 : memref<80xi32, #tpu.memory_space<vmem>>) semaphore(%run_scoped3A : memref<!tpu.dma_semaphore, #tpu.memory_space<semaphore_mem>>) {add = true}
        %dma_wait3A_88 = tpu.memref_slice %arg7[%mul3A_69] : memref<10000xi32, #tpu.memory_space<vmem>> -> memref<80xi32, #tpu.memory_space<vmem>>
        %dma_wait3A_89 = arith.constant 0 : i32
        %dma_wait3A_90 = arith.constant 0 : i32
        %dma_wait3A_91 = tpu.memref_slice %arg10[%dma_wait3A_89, %dma_wait3A_90] : memref<10240x128xf32, #tpu.memory_space<vmem_shared>> -> memref<10240x128xf32, #tpu.memory_space<vmem_shared>>
        tpu.wait_indirect_dma semaphore(%run_scoped3A : memref<!tpu.dma_semaphore, #tpu.memory_space<semaphore_mem>>) src(%arg8 : memref<80x128xf32, #tpu.memory_space<vmem>>) dst(%dma_wait3A_91 : memref<10240x128xf32, #tpu.memory_space<vmem_shared>>)
        tpu.yield
      }) : () -> ()
      %add3A_70 = arith.constant 1 : i32
      %add3A_71 = arith.addi %add3A_55, %add3A_70 : i32
      %mul3A_72 = arith.constant 80 : i32
      %mul3A_73 = arith.muli %add3A_71, %mul3A_72 : i32
      %dma_start3A_74 = tpu.memref_slice %arg6[%mul3A_73] : memref<10000xi32, #tpu.memory_space<vmem>> -> memref<80xi32, #tpu.memory_space<vmem>>
      %dma_start3A_75 = arith.constant 0 : i32
      %dma_start3A_76 = arith.constant 0 : i32
      %dma_start3A_77 = tpu.memref_slice %arg2[%dma_start3A_75, %dma_start3A_76] : memref<10000x128xf32, #tpu.memory_space<hbm>> -> memref<10000x128xf32, #tpu.memory_space<hbm>>
      tpu.enqueue_indirect_dma source(%dma_start3A_77 : memref<10000x128xf32, #tpu.memory_space<hbm>>) target(%arg8 : memref<80x128xf32, #tpu.memory_space<vmem>>) offsets(%dma_start3A_74 : memref<80xi32, #tpu.memory_space<vmem>>) semaphore(%arg11 : memref<!tpu.dma_semaphore, #tpu.memory_space<semaphore_mem>>)
      %dma_wait3A_78 = tpu.memref_slice %arg6[%mul3A_57] : memref<10000xi32, #tpu.memory_space<vmem>> -> memref<80xi32, #tpu.memory_space<vmem>>
      %dma_wait3A_79 = arith.constant 0 : i32
      %dma_wait3A_80 = arith.constant 0 : i32
      %dma_wait3A_81 = tpu.memref_slice %arg2[%dma_wait3A_79, %dma_wait3A_80] : memref<10000x128xf32, #tpu.memory_space<hbm>> -> memref<10000x128xf32, #tpu.memory_space<hbm>>
      tpu.wait_indirect_dma semaphore(%arg12 : memref<!tpu.dma_semaphore, #tpu.memory_space<semaphore_mem>>) src(%dma_wait3A_81 : memref<10000x128xf32, #tpu.memory_space<hbm>>) dst(%arg9 : memref<80x128xf32, #tpu.memory_space<vmem>>)
      %mul3A_82 = arith.constant 80 : i32
      %mul3A_83 = arith.muli %add3A_55, %mul3A_82 : i32
      "tpu.region"() ({
        %run_scoped3A = tpu.sem_alloc : memref<!tpu.dma_semaphore, #tpu.memory_space<semaphore_mem>>
        %dma_start3A_84 = tpu.memref_slice %arg7[%mul3A_83] : memref<10000xi32, #tpu.memory_space<vmem>> -> memref<80xi32, #tpu.memory_space<vmem>>
        %dma_start3A_85 = arith.constant 0 : i32
        %dma_start3A_86 = arith.constant 0 : i32
        %dma_start3A_87 = tpu.memref_slice %arg10[%dma_start3A_85, %dma_start3A_86] : memref<10240x128xf32, #tpu.memory_space<vmem_shared>> -> memref<10240x128xf32, #tpu.memory_space<vmem_shared>>
        tpu.enqueue_indirect_dma source(%arg9 : memref<80x128xf32, #tpu.memory_space<vmem>>) target(%dma_start3A_87 : memref<10240x128xf32, #tpu.memory_space<vmem_shared>>) offsets(%dma_start3A_84 : memref<80xi32, #tpu.memory_space<vmem>>) semaphore(%run_scoped3A : memref<!tpu.dma_semaphore, #tpu.memory_space<semaphore_mem>>) {add = true}
        %dma_wait3A_88 = tpu.memref_slice %arg7[%mul3A_83] : memref<10000xi32, #tpu.memory_space<vmem>> -> memref<80xi32, #tpu.memory_space<vmem>>
        %dma_wait3A_89 = arith.constant 0 : i32
        %dma_wait3A_90 = arith.constant 0 : i32
        %dma_wait3A_91 = tpu.memref_slice %arg10[%dma_wait3A_89, %dma_wait3A_90] : memref<10240x128xf32, #tpu.memory_space<vmem_shared>> -> memref<10240x128xf32, #tpu.memory_space<vmem_shared>>
        tpu.wait_indirect_dma semaphore(%run_scoped3A : memref<!tpu.dma_semaphore, #tpu.memory_space<semaphore_mem>>) src(%arg9 : memref<80x128xf32, #tpu.memory_space<vmem>>) dst(%dma_wait3A_91 : memref<10240x128xf32, #tpu.memory_space<vmem_shared>>)
        tpu.yield
      }) : () -> ()
    }
    %scan3A_38 = arith.constant 62 : i32
    %dma_wait3A_39 = arith.constant 9920 : i32
    %dma_wait3A_40 = tpu.memref_slice %arg6[%dma_wait3A_39] : memref<10000xi32, #tpu.memory_space<vmem>> -> memref<80xi32, #tpu.memory_space<vmem>>
    %dma_wait3A_41 = arith.constant 0 : i32
    %dma_wait3A_42 = arith.constant 0 : i32
    %dma_wait3A_43 = tpu.memref_slice %arg2[%dma_wait3A_41, %dma_wait3A_42] : memref<10000x128xf32, #tpu.memory_space<hbm>> -> memref<10000x128xf32, #tpu.memory_space<hbm>>
    tpu.wait_indirect_dma semaphore(%arg11 : memref<!tpu.dma_semaphore, #tpu.memory_space<semaphore_mem>>) src(%dma_wait3A_43 : memref<10000x128xf32, #tpu.memory_space<hbm>>) dst(%arg8 : memref<80x128xf32, #tpu.memory_space<vmem>>)
    "tpu.region"() ({
      %run_scoped3A = tpu.sem_alloc : memref<!tpu.dma_semaphore, #tpu.memory_space<semaphore_mem>>
      %dma_start3A_47 = arith.constant 9920 : i32
      %dma_start3A_48 = tpu.memref_slice %arg7[%dma_start3A_47] : memref<10000xi32, #tpu.memory_space<vmem>> -> memref<80xi32, #tpu.memory_space<vmem>>
      %dma_start3A_49 = arith.constant 0 : i32
      %dma_start3A_50 = arith.constant 0 : i32
      %dma_start3A_51 = tpu.memref_slice %arg10[%dma_start3A_49, %dma_start3A_50] : memref<10240x128xf32, #tpu.memory_space<vmem_shared>> -> memref<10240x128xf32, #tpu.memory_space<vmem_shared>>
      tpu.enqueue_indirect_dma source(%arg8 : memref<80x128xf32, #tpu.memory_space<vmem>>) target(%dma_start3A_51 : memref<10240x128xf32, #tpu.memory_space<vmem_shared>>) offsets(%dma_start3A_48 : memref<80xi32, #tpu.memory_space<vmem>>) semaphore(%run_scoped3A : memref<!tpu.dma_semaphore, #tpu.memory_space<semaphore_mem>>) {add = true}
      %dma_wait3A_52 = arith.constant 9920 : i32
      %dma_wait3A_53 = tpu.memref_slice %arg7[%dma_wait3A_52] : memref<10000xi32, #tpu.memory_space<vmem>> -> memref<80xi32, #tpu.memory_space<vmem>>
      %dma_wait3A_54 = arith.constant 0 : i32
      %dma_wait3A_55 = arith.constant 0 : i32
      %dma_wait3A_56 = tpu.memref_slice %arg10[%dma_wait3A_54, %dma_wait3A_55] : memref<10240x128xf32, #tpu.memory_space<vmem_shared>> -> memref<10240x128xf32, #tpu.memory_space<vmem_shared>>
      tpu.wait_indirect_dma semaphore(%run_scoped3A : memref<!tpu.dma_semaphore, #tpu.memory_space<semaphore_mem>>) src(%arg8 : memref<80x128xf32, #tpu.memory_space<vmem>>) dst(%dma_wait3A_56 : memref<10240x128xf32, #tpu.memory_space<vmem_shared>>)
      tpu.yield
    }) : () -> ()
    %barrier3A_44 = arith.constant 0 : index
    tpu.barrier barrier_id(%barrier3A_44)
    %mul3A_45 = arith.constant 640 : i32
    %mul3A_46 = arith.muli %arg1, %mul3A_45 : i32
    "tpu.region"() ({
      %run_scoped3A = tpu.sem_alloc : memref<!tpu.dma_semaphore, #tpu.memory_space<semaphore_mem>>
      %dma_start3A_47 = arith.constant 0 : i32
      %dma_start3A_48 = tpu.memref_slice %arg5[%arg0, %mul3A_46, %dma_start3A_47] : memref<2x10240x128xf32, #tpu.memory_space<hbm>> -> memref<1x640x128xf32, #tpu.memory_space<hbm>>
      %dma_start3A_49 = tpu.memref_squeeze %dma_start3A_48 : memref<1x640x128xf32, #tpu.memory_space<hbm>> -> memref<640x128xf32, #tpu.memory_space<hbm>>
      %dma_start3A_50 = arith.constant 0 : i32
      %dma_start3A_51 = tpu.memref_slice %arg10[%mul3A_46, %dma_start3A_50] : memref<10240x128xf32, #tpu.memory_space<vmem_shared>> -> memref<640x128xf32, #tpu.memory_space<vmem_shared>>
      tpu.enqueue_dma source(%dma_start3A_51 : memref<640x128xf32, #tpu.memory_space<vmem_shared>>) target(%dma_start3A_49 : memref<640x128xf32, #tpu.memory_space<hbm>>) target_semaphore(%run_scoped3A : memref<!tpu.dma_semaphore, #tpu.memory_space<semaphore_mem>>)
      %dma_wait3A_52 = arith.constant 0 : i32
      %dma_wait3A_53 = tpu.memref_slice %arg5[%arg0, %mul3A_46, %dma_wait3A_52] : memref<2x10240x128xf32, #tpu.memory_space<hbm>> -> memref<1x640x128xf32, #tpu.memory_space<hbm>>
      %dma_wait3A_54 = tpu.memref_squeeze %dma_wait3A_53 : memref<1x640x128xf32, #tpu.memory_space<hbm>> -> memref<640x128xf32, #tpu.memory_space<hbm>>
      %dma_wait3A_55 = arith.constant 0 : i32
      %dma_wait3A_56 = tpu.memref_slice %arg10[%mul3A_46, %dma_wait3A_55] : memref<10240x128xf32, #tpu.memory_space<vmem_shared>> -> memref<640x128xf32, #tpu.memory_space<vmem_shared>>
      tpu.wait_dma2 semaphore(%run_scoped3A : memref<!tpu.dma_semaphore, #tpu.memory_space<semaphore_mem>>) src(%dma_wait3A_56 : memref<640x128xf32, #tpu.memory_space<vmem_shared>>) dst(%dma_wait3A_54 : memref<640x128xf32, #tpu.memory_space<hbm>>)
      tpu.yield
    }) : () -> ()
    return
  }
}

#map = affine_map<(d0, d1) -> (0, 0, 0)>
#map1 = affine_map<(d0, d1) -> (0, 0)>
module attributes {stable_mosaic.version = 14 : i64} {
  func.func @_hist_body(%arg0: i32, %arg1: i32, %arg2: memref<32x125x80xi32, #tpu.memory_space<hbm>>, %arg3: memref<2x10240xf32, #tpu.memory_space<hbm>>, %arg4: memref<125x80xi32, #tpu.memory_space<vmem>>, %arg5: memref<80xf32, #tpu.memory_space<vmem>>, %arg6: memref<640xf32, #tpu.memory_space<vmem>>, %arg7: memref<10240xf32, #tpu.memory_space<vmem_shared>>, %arg8: memref<!tpu.dma_semaphore, #tpu.memory_space<semaphore_mem>>) attributes {dimension_semantics = [#tpu.dimension_semantics<core_parallel>, #tpu.dimension_semantics<subcore_parallel>], iteration_bounds = array<i64: 2, 16>, scalar_prefetch = 0 : i64, scratch_operands = 5 : i64, tpu.core_type = #tpu.core_type<sc_vector_subcore>, window_params = [{transform_indices = #map}, {transform_indices = #map1}]} {
    %mul3A = arith.constant 2 : i32
    %mul3A_0 = arith.muli %arg1, %mul3A : i32
    %add3A = arith.addi %mul3A_0, %arg0 : i32
    %scan3A = arith.constant 0 : i32
    %scan3A_1 = arith.constant 40 : i32
    %scan3A_2 = arith.addi %scan3A, %scan3A_1 : i32
    %scan3A_3 = arith.constant 1 : i32
    scf.for %scan3A_36 = %scan3A to %scan3A_2 step %scan3A_3  : i32 {
      %mul3A_37 = arith.constant 1 : i32
      %mul3A_38 = arith.muli %scan3A_36, %mul3A_37 : i32
      %add3A_39 = arith.constant 0 : i32
      %add3A_40 = arith.addi %add3A_39, %mul3A_38 : i32
      %broadcast_in_dim3A = arith.constant 0.000000e+00 : f32
      %broadcast_in_dim3A_41 = vector.broadcast %broadcast_in_dim3A : f32 to vector<16xf32>
      %mul3A_42 = arith.constant 16 : i32
      %mul3A_43 = arith.muli %add3A_40, %mul3A_42 : i32
      %swap3A = arith.index_cast %mul3A_43 : i32 to index
      %swap3A_44 = tpu.vector_load %arg6[%swap3A] {strides = array<i32>} : memref<640xf32, #tpu.memory_space<vmem>>, vector<16xf32>,
      %swap3A_45 = vector.shape_cast %swap3A_44 : vector<16xf32> to vector<16xf32>
      %swap3A_46 = vector.shape_cast %broadcast_in_dim3A_41 : vector<16xf32> to vector<16xf32>
      tpu.vector_store %arg6[%swap3A], %swap3A_46 {strides = array<i32>} : memref<640xf32, #tpu.memory_space<vmem>>, vector<16xf32>,
    }
    %scan3A_4 = arith.constant 40 : i32
    %scan3A_5 = arith.constant 0 : i32
    %scan3A_6 = arith.constant 5 : i32
    %scan3A_7 = arith.addi %scan3A_5, %scan3A_6 : i32
    %scan3A_8 = arith.constant 1 : i32
    scf.for %scan3A_36 = %scan3A_5 to %scan3A_7 step %scan3A_8  : i32 {
      %mul3A_37 = arith.constant 1 : i32
      %mul3A_38 = arith.muli %scan3A_36, %mul3A_37 : i32
      %add3A_39 = arith.constant 0 : i32
      %add3A_40 = arith.addi %add3A_39, %mul3A_38 : i32
      %broadcast_in_dim3A = arith.constant 1.000000e+00 : f32
      %broadcast_in_dim3A_41 = vector.broadcast %broadcast_in_dim3A : f32 to vector<16xf32>
      %mul3A_42 = arith.constant 16 : i32
      %mul3A_43 = arith.muli %add3A_40, %mul3A_42 : i32
      %swap3A = arith.index_cast %mul3A_43 : i32 to index
      %swap3A_44 = tpu.vector_load %arg5[%swap3A] {strides = array<i32>} : memref<80xf32, #tpu.memory_space<vmem>>, vector<16xf32>,
      %swap3A_45 = vector.shape_cast %swap3A_44 : vector<16xf32> to vector<16xf32>
      %swap3A_46 = vector.shape_cast %broadcast_in_dim3A_41 : vector<16xf32> to vector<16xf32>
      tpu.vector_store %arg5[%swap3A], %swap3A_46 {strides = array<i32>} : memref<80xf32, #tpu.memory_space<vmem>>, vector<16xf32>,
    }
    %scan3A_9 = arith.constant 5 : i32
    %dma_start3A = arith.constant 0 : i32
    %dma_start3A_10 = arith.constant 0 : i32
    %dma_start3A_11 = tpu.memref_slice %arg2[%add3A, %dma_start3A, %dma_start3A_10] : memref<32x125x80xi32, #tpu.memory_space<hbm>> -> memref<1x125x80xi32, #tpu.memory_space<hbm>>
    %dma_start3A_12 = tpu.memref_squeeze %dma_start3A_11 : memref<1x125x80xi32, #tpu.memory_space<hbm>> -> memref<125x80xi32, #tpu.memory_space<hbm>>
    %dma_start3A_13 = arith.constant 0 : i32
    %dma_start3A_14 = arith.constant 0 : i32
    %dma_start3A_15 = tpu.memref_slice %arg2[%add3A, %dma_start3A_13, %dma_start3A_14] : memref<32x125x80xi32, #tpu.memory_space<hbm>> -> memref<1x125x80xi32, #tpu.memory_space<hbm>>
    %dma_start3A_16 = tpu.memref_squeeze %dma_start3A_15 : memref<1x125x80xi32, #tpu.memory_space<hbm>> -> memref<125x80xi32, #tpu.memory_space<hbm>>
    tpu.enqueue_dma source(%dma_start3A_16 : memref<125x80xi32, #tpu.memory_space<hbm>>) target(%arg4 : memref<125x80xi32, #tpu.memory_space<vmem>>) target_semaphore(%arg8 : memref<!tpu.dma_semaphore, #tpu.memory_space<semaphore_mem>>)
    %mul3A_17 = arith.constant 640 : i32
    %mul3A_18 = arith.muli %arg1, %mul3A_17 : i32
    "tpu.region"() ({
      %run_scoped3A = tpu.sem_alloc : memref<!tpu.dma_semaphore, #tpu.memory_space<semaphore_mem>>
      %dma_start3A_36 = tpu.memref_slice %arg7[%mul3A_18] : memref<10240xf32, #tpu.memory_space<vmem_shared>> -> memref<640xf32, #tpu.memory_space<vmem_shared>>
      %dma_start3A_37 = tpu.memref_slice %arg7[%mul3A_18] : memref<10240xf32, #tpu.memory_space<vmem_shared>> -> memref<640xf32, #tpu.memory_space<vmem_shared>>
      tpu.enqueue_dma source(%arg6 : memref<640xf32, #tpu.memory_space<vmem>>) target(%dma_start3A_37 : memref<640xf32, #tpu.memory_space<vmem_shared>>) target_semaphore(%run_scoped3A : memref<!tpu.dma_semaphore, #tpu.memory_space<semaphore_mem>>)
      %dma_wait3A_38 = tpu.memref_slice %arg7[%mul3A_18] : memref<10240xf32, #tpu.memory_space<vmem_shared>> -> memref<640xf32, #tpu.memory_space<vmem_shared>>
      %dma_wait3A_39 = tpu.memref_slice %arg7[%mul3A_18] : memref<10240xf32, #tpu.memory_space<vmem_shared>> -> memref<640xf32, #tpu.memory_space<vmem_shared>>
      tpu.wait_dma2 semaphore(%run_scoped3A : memref<!tpu.dma_semaphore, #tpu.memory_space<semaphore_mem>>) src(%arg6 : memref<640xf32, #tpu.memory_space<vmem>>) dst(%dma_wait3A_39 : memref<640xf32, #tpu.memory_space<vmem_shared>>)
      tpu.yield
    }) : () -> ()
    %dma_wait3A = arith.constant 0 : i32
    %dma_wait3A_19 = arith.constant 0 : i32
    %dma_wait3A_20 = tpu.memref_slice %arg2[%add3A, %dma_wait3A, %dma_wait3A_19] : memref<32x125x80xi32, #tpu.memory_space<hbm>> -> memref<1x125x80xi32, #tpu.memory_space<hbm>>
    %dma_wait3A_21 = tpu.memref_squeeze %dma_wait3A_20 : memref<1x125x80xi32, #tpu.memory_space<hbm>> -> memref<125x80xi32, #tpu.memory_space<hbm>>
    %dma_wait3A_22 = arith.constant 0 : i32
    %dma_wait3A_23 = arith.constant 0 : i32
    %dma_wait3A_24 = tpu.memref_slice %arg2[%add3A, %dma_wait3A_22, %dma_wait3A_23] : memref<32x125x80xi32, #tpu.memory_space<hbm>> -> memref<1x125x80xi32, #tpu.memory_space<hbm>>
    %dma_wait3A_25 = tpu.memref_squeeze %dma_wait3A_24 : memref<1x125x80xi32, #tpu.memory_space<hbm>> -> memref<125x80xi32, #tpu.memory_space<hbm>>
    tpu.wait_dma2 semaphore(%arg8 : memref<!tpu.dma_semaphore, #tpu.memory_space<semaphore_mem>>) src(%dma_wait3A_25 : memref<125x80xi32, #tpu.memory_space<hbm>>) dst(%arg4 : memref<125x80xi32, #tpu.memory_space<vmem>>)
    %barrier3A = arith.constant 0 : index
    tpu.barrier barrier_id(%barrier3A)
    %scan3A_26 = arith.constant 0 : i32
    %scan3A_27 = arith.constant 125 : i32
    %scan3A_28 = arith.addi %scan3A_26, %scan3A_27 : i32
    %scan3A_29 = arith.constant 1 : i32
    scf.for %scan3A_36 = %scan3A_26 to %scan3A_28 step %scan3A_29  : i32 {
      %mul3A_37 = arith.constant 1 : i32
      %mul3A_38 = arith.muli %scan3A_36, %mul3A_37 : i32
      %add3A_39 = arith.constant 0 : i32
      %add3A_40 = arith.addi %add3A_39, %mul3A_38 : i32
      "tpu.region"() ({
        %run_scoped3A = tpu.sem_alloc : memref<!tpu.dma_semaphore, #tpu.memory_space<semaphore_mem>>
        %dma_start3A_41 = arith.constant 0 : i32
        %dma_start3A_42 = tpu.memref_slice %arg4[%add3A_40, %dma_start3A_41] : memref<125x80xi32, #tpu.memory_space<vmem>> -> memref<1x80xi32, #tpu.memory_space<vmem>>
        %dma_start3A_43 = tpu.memref_squeeze %dma_start3A_42 : memref<1x80xi32, #tpu.memory_space<vmem>> -> memref<80xi32, #tpu.memory_space<vmem>>
        %dma_start3A_44 = arith.constant 0 : i32
        %dma_start3A_45 = tpu.memref_slice %arg7[%dma_start3A_44] : memref<10240xf32, #tpu.memory_space<vmem_shared>> -> memref<10240xf32, #tpu.memory_space<vmem_shared>>
        tpu.enqueue_indirect_dma source(%arg5 : memref<80xf32, #tpu.memory_space<vmem>>) target(%dma_start3A_45 : memref<10240xf32, #tpu.memory_space<vmem_shared>>) offsets(%dma_start3A_43 : memref<80xi32, #tpu.memory_space<vmem>>) semaphore(%run_scoped3A : memref<!tpu.dma_semaphore, #tpu.memory_space<semaphore_mem>>) {add = true}
        %dma_wait3A_46 = arith.constant 0 : i32
        %dma_wait3A_47 = tpu.memref_slice %arg4[%add3A_40, %dma_wait3A_46] : memref<125x80xi32, #tpu.memory_space<vmem>> -> memref<1x80xi32, #tpu.memory_space<vmem>>
        %dma_wait3A_48 = tpu.memref_squeeze %dma_wait3A_47 : memref<1x80xi32, #tpu.memory_space<vmem>> -> memref<80xi32, #tpu.memory_space<vmem>>
        %dma_wait3A_49 = arith.constant 0 : i32
        %dma_wait3A_50 = tpu.memref_slice %arg7[%dma_wait3A_49] : memref<10240xf32, #tpu.memory_space<vmem_shared>> -> memref<10240xf32, #tpu.memory_space<vmem_shared>>
        tpu.wait_indirect_dma semaphore(%run_scoped3A : memref<!tpu.dma_semaphore, #tpu.memory_space<semaphore_mem>>) src(%arg5 : memref<80xf32, #tpu.memory_space<vmem>>) dst(%dma_wait3A_50 : memref<10240xf32, #tpu.memory_space<vmem_shared>>)
        tpu.yield
      }) : () -> ()
    }
    %scan3A_30 = arith.constant 125 : i32
    %barrier3A_31 = arith.constant 0 : index
    tpu.barrier barrier_id(%barrier3A_31)
    %mul3A_32 = arith.constant 640 : i32
    %mul3A_33 = arith.muli %arg1, %mul3A_32 : i32
    %mul3A_34 = arith.constant 640 : i32
    %mul3A_35 = arith.muli %arg1, %mul3A_34 : i32
    "tpu.region"() ({
      %run_scoped3A = tpu.sem_alloc : memref<!tpu.dma_semaphore, #tpu.memory_space<semaphore_mem>>
      %dma_start3A_36 = tpu.memref_slice %arg3[%arg0, %mul3A_35] : memref<2x10240xf32, #tpu.memory_space<hbm>> -> memref<1x640xf32, #tpu.memory_space<hbm>>
      %dma_start3A_37 = tpu.memref_squeeze %dma_start3A_36 : memref<1x640xf32, #tpu.memory_space<hbm>> -> memref<640xf32, #tpu.memory_space<hbm>>
      %dma_start3A_38 = tpu.memref_slice %arg7[%mul3A_33] : memref<10240xf32, #tpu.memory_space<vmem_shared>> -> memref<640xf32, #tpu.memory_space<vmem_shared>>
      tpu.enqueue_dma source(%dma_start3A_38 : memref<640xf32, #tpu.memory_space<vmem_shared>>) target(%dma_start3A_37 : memref<640xf32, #tpu.memory_space<hbm>>) target_semaphore(%run_scoped3A : memref<!tpu.dma_semaphore, #tpu.memory_space<semaphore_mem>>)
      %dma_wait3A_39 = tpu.memref_slice %arg3[%arg0, %mul3A_35] : memref<2x10240xf32, #tpu.memory_space<hbm>> -> memref<1x640xf32, #tpu.memory_space<hbm>>
      %dma_wait3A_40 = tpu.memref_squeeze %dma_wait3A_39 : memref<1x640xf32, #tpu.memory_space<hbm>> -> memref<640xf32, #tpu.memory_space<hbm>>
      %dma_wait3A_41 = tpu.memref_slice %arg7[%mul3A_33] : memref<10240xf32, #tpu.memory_space<vmem_shared>> -> memref<640xf32, #tpu.memory_space<vmem_shared>>
      tpu.wait_dma2 semaphore(%run_scoped3A : memref<!tpu.dma_semaphore, #tpu.memory_space<semaphore_mem>>) src(%dma_wait3A_41 : memref<640xf32, #tpu.memory_space<vmem_shared>>) dst(%dma_wait3A_40 : memref<640xf32, #tpu.memory_space<hbm>>)
      tpu.yield
    }) : () -> ()
    return
  }
}

module attributes {stable_mosaic.version = 14 : i64} {
  func.func @_tck1a_body(%arg0: i32, %arg1: memref<1024x128xf32, #tpu.memory_space<vmem>>, %arg2: memref<128x128xf32, #tpu.memory_space<vmem>>, %arg3: memref<1024x128xf32, #tpu.memory_space<vmem>>) attributes {dimension_semantics = [#tpu.dimension_semantics<arbitrary>], iteration_bounds = array<i64: 10>, scalar_prefetch = 0 : i64, scratch_operands = 0 : i64, tpu.core_type = #tpu.core_type<tc>, window_params = [{transform_indices = @transform_0, window_bounds = array<i64: 1024, 128>}, {pipeline_mode = #tpu.pipeline_mode<synchronous>, transform_indices = @transform_1, window_bounds = array<i64: 128, 128>}, {transform_indices = @transform_2, window_bounds = array<i64: 1024, 128>}]} {
    %get3A = arith.constant 0 : index
    %get3A_0 = arith.constant 0 : index
    %get3A_1 = vector.load %arg1[%get3A, %get3A_0] : memref<1024x128xf32, #tpu.memory_space<vmem>>, vector<1024x128xf32>
    %get3A_2 = arith.constant 0 : index
    %get3A_3 = arith.constant 0 : index
    %get3A_4 = vector.load %arg2[%get3A_2, %get3A_3] : memref<128x128xf32, #tpu.memory_space<vmem>>, vector<128x128xf32>
    %transpose3A = tpu.transpose %get3A_4, [1, 0] : vector<128x128xf32> -> vector<128x128xf32>
    %dot_general3A = arith.constant dense<0.000000e+00> : vector<1024x128xf32>
    %dot_general3A_5 = tpu.matmul %get3A_1, %transpose3A, %dot_general3A {dimension_numbers = #tpu.dot_dimension_numbers<[1], [0], [0], [1], [0, 0, 1, 1], [], []>, transpose_lhs_hint = false} : vector<1024x128xf32>, vector<128x128xf32>, vector<1024x128xf32> -> vector<1024x128xf32>
    %swap3A = arith.constant 0 : index
    %swap3A_6 = arith.constant 0 : index
    %swap3A_7 = vector.load %arg3[%swap3A, %swap3A_6] : memref<1024x128xf32, #tpu.memory_space<vmem>>, vector<1024x128xf32>
    tpu.vector_store %arg3[%swap3A, %swap3A_6], %dot_general3A_5 {strides = array<i32>} : memref<1024x128xf32, #tpu.memory_space<vmem>>, vector<1024x128xf32>,
    return
  }
  func.func @transform_0(%arg0: i32) -> (i32, i32) {
    %c0_i32 = arith.constant 0 : i32
    %c0_i32_0 = arith.constant 0 : i32
    return %arg0, %c0_i32 : i32, i32
  }
  func.func @transform_1(%arg0: i32) -> (i32, i32) {
    %c0_i32 = arith.constant 0 : i32
    %c0_i32_0 = arith.constant 0 : i32
    %c0_i32_1 = arith.constant 0 : i32
    return %c0_i32, %c0_i32_0 : i32, i32
  }
  func.func @transform_2(%arg0: i32) -> (i32, i32) {
    %c0_i32 = arith.constant 0 : i32
    %c0_i32_0 = arith.constant 0 : i32
    return %arg0, %c0_i32 : i32, i32
  }
}

module attributes {stable_mosaic.version = 14 : i64} {
  func.func @_tck1b_body(%arg0: i32, %arg1: memref<1024x128xf32, #tpu.memory_space<vmem>>, %arg2: memref<128x128xf32, #tpu.memory_space<vmem>>, %arg3: memref<2x10240xf32, #tpu.memory_space<vmem>>, %arg4: memref<1024x128xf32, #tpu.memory_space<vmem>>) attributes {dimension_semantics = [#tpu.dimension_semantics<arbitrary>], iteration_bounds = array<i64: 10>, scalar_prefetch = 0 : i64, scratch_operands = 0 : i64, tpu.core_type = #tpu.core_type<tc>, window_params = [{transform_indices = @transform_0, window_bounds = array<i64: 1024, 128>}, {pipeline_mode = #tpu.pipeline_mode<synchronous>, transform_indices = @transform_1, window_bounds = array<i64: 128, 128>}, {pipeline_mode = #tpu.pipeline_mode<synchronous>, transform_indices = @transform_2, window_bounds = array<i64: 2, 10240>}, {transform_indices = @transform_3, window_bounds = array<i64: 1024, 128>}]} {
    %get3A = arith.constant 0 : index
    %get3A_0 = arith.constant 0 : index
    %get3A_1 = vector.load %arg1[%get3A, %get3A_0] : memref<1024x128xf32, #tpu.memory_space<vmem>>, vector<1024x128xf32>
    %get3A_2 = arith.constant 0 : index
    %get3A_3 = arith.constant 0 : index
    %get3A_4 = vector.load %arg2[%get3A_2, %get3A_3] : memref<128x128xf32, #tpu.memory_space<vmem>>, vector<128x128xf32>
    %transpose3A = tpu.transpose %get3A_4, [1, 0] : vector<128x128xf32> -> vector<128x128xf32>
    %dot_general3A = arith.constant dense<0.000000e+00> : vector<1024x128xf32>
    %dot_general3A_5 = tpu.matmul %get3A_1, %transpose3A, %dot_general3A {dimension_numbers = #tpu.dot_dimension_numbers<[1], [0], [0], [1], [0, 0, 1, 1], [], []>, transpose_lhs_hint = false} : vector<1024x128xf32>, vector<128x128xf32>, vector<1024x128xf32> -> vector<1024x128xf32>
    %mul3A = arith.constant 1024 : i32
    %mul3A_6 = arith.muli %arg0, %mul3A : i32
    %get3A_7 = arith.constant 0 : index
    %get3A_8 = arith.index_cast %mul3A_6 : i32 to index
    %get3A_9 = vector.load %arg3[%get3A_7, %get3A_8] : memref<2x10240xf32, #tpu.memory_space<vmem>>, vector<1x1024xf32>
    %get3A_10 = vector.shape_cast %get3A_9 : vector<1x1024xf32> to vector<1024xf32>
    %get3A_11 = arith.constant 1 : index
    %get3A_12 = arith.index_cast %mul3A_6 : i32 to index
    %get3A_13 = vector.load %arg3[%get3A_11, %get3A_12] : memref<2x10240xf32, #tpu.memory_space<vmem>>, vector<1x1024xf32>
    %get3A_14 = vector.shape_cast %get3A_13 : vector<1x1024xf32> to vector<1024xf32>
    %add3A = arith.addf %get3A_10, %get3A_14 : vector<1024xf32>
    %add3A_15 = arith.constant 1.000000e+00 : f32
    %add3A_16 = vector.broadcast %add3A_15 : f32 to vector<1024xf32>
    %add3A_17 = arith.addf %add3A, %add3A_16 : vector<1024xf32>
    %rsqrt3A = math.rsqrt %add3A_17 : vector<1024xf32>
    %broadcast_in_dim3A = vector.shape_cast %rsqrt3A : vector<1024xf32> to vector<1024x1xf32>
    %mul3A_18 = vector.broadcast %broadcast_in_dim3A : vector<1024x1xf32> to vector<1024x128xf32>
    %mul3A_19 = arith.mulf %mul3A_18, %dot_general3A_5 : vector<1024x128xf32>
    %swap3A = arith.constant 0 : index
    %swap3A_20 = arith.constant 0 : index
    %swap3A_21 = vector.load %arg4[%swap3A, %swap3A_20] : memref<1024x128xf32, #tpu.memory_space<vmem>>, vector<1024x128xf32>
    tpu.vector_store %arg4[%swap3A, %swap3A_20], %mul3A_19 {strides = array<i32>} : memref<1024x128xf32, #tpu.memory_space<vmem>>, vector<1024x128xf32>,
    return
  }
  func.func @transform_0(%arg0: i32) -> (i32, i32) {
    %c0_i32 = arith.constant 0 : i32
    %c0_i32_0 = arith.constant 0 : i32
    return %arg0, %c0_i32 : i32, i32
  }
  func.func @transform_1(%arg0: i32) -> (i32, i32) {
    %c0_i32 = arith.constant 0 : i32
    %c0_i32_0 = arith.constant 0 : i32
    %c0_i32_1 = arith.constant 0 : i32
    return %c0_i32, %c0_i32_0 : i32, i32
  }
  func.func @transform_2(%arg0: i32) -> (i32, i32) {
    %c0_i32 = arith.constant 0 : i32
    %c0_i32_0 = arith.constant 0 : i32
    %c0_i32_1 = arith.constant 0 : i32
    return %c0_i32, %c0_i32_0 : i32, i32
  }
  func.func @transform_3(%arg0: i32) -> (i32, i32) {
    %c0_i32 = arith.constant 0 : i32
    %c0_i32_0 = arith.constant 0 : i32
    return %arg0, %c0_i32 : i32, i32
  }
}

module attributes {stable_mosaic.version = 14 : i64} {
  func.func @_tck2_body(%arg0: i32, %arg1: memref<1024x128xf32, #tpu.memory_space<vmem>>, %arg2: memref<1024x128xf32, #tpu.memory_space<vmem>>, %arg3: memref<2x1024x128xf32, #tpu.memory_space<vmem>>, %arg4: memref<2x10240xf32, #tpu.memory_space<vmem>>, %arg5: memref<128x128xf32, #tpu.memory_space<vmem>>, %arg6: memref<1x128xf32, #tpu.memory_space<vmem>>, %arg7: memref<128x128xf32, #tpu.memory_space<vmem>>, %arg8: memref<1024x128xf32, #tpu.memory_space<vmem>>, %arg9: memref<1024x128xf32, #tpu.memory_space<vmem>>) attributes {dimension_semantics = [#tpu.dimension_semantics<arbitrary>], iteration_bounds = array<i64: 10>, scalar_prefetch = 0 : i64, scratch_operands = 0 : i64, tpu.core_type = #tpu.core_type<tc>, window_params = [{transform_indices = @transform_0, window_bounds = array<i64: 1024, 128>}, {transform_indices = @transform_1, window_bounds = array<i64: 1024, 128>}, {transform_indices = @transform_2, window_bounds = array<i64: 2, 1024, 128>}, {pipeline_mode = #tpu.pipeline_mode<synchronous>, transform_indices = @transform_3, window_bounds = array<i64: 2, 10240>}, {pipeline_mode = #tpu.pipeline_mode<synchronous>, transform_indices = @transform_4, window_bounds = array<i64: 128, 128>}, {pipeline_mode = #tpu.pipeline_mode<synchronous>, transform_indices = @transform_5, window_bounds = array<i64: 1, 128>}, {pipeline_mode = #tpu.pipeline_mode<synchronous>, transform_indices = @transform_6, window_bounds = array<i64: 128, 128>}, {transform_indices = @transform_7, window_bounds = array<i64: 1024, 128>}, {transform_indices = @transform_8, window_bounds = array<i64: 1024, 128>}]} {
    %mul3A = arith.constant 1024 : i32
    %mul3A_0 = arith.muli %arg0, %mul3A : i32
    %get3A = arith.constant 0 : index
    %get3A_1 = arith.index_cast %mul3A_0 : i32 to index
    %get3A_2 = vector.load %arg4[%get3A, %get3A_1] : memref<2x10240xf32, #tpu.memory_space<vmem>>, vector<1x1024xf32>
    %get3A_3 = vector.shape_cast %get3A_2 : vector<1x1024xf32> to vector<1024xf32>
    %get3A_4 = arith.constant 1 : index
    %get3A_5 = arith.index_cast %mul3A_0 : i32 to index
    %get3A_6 = vector.load %arg4[%get3A_4, %get3A_5] : memref<2x10240xf32, #tpu.memory_space<vmem>>, vector<1x1024xf32>
    %get3A_7 = vector.shape_cast %get3A_6 : vector<1x1024xf32> to vector<1024xf32>
    %add3A = arith.addf %get3A_3, %get3A_7 : vector<1024xf32>
    %add3A_8 = arith.constant 1.000000e+00 : f32
    %add3A_9 = vector.broadcast %add3A_8 : f32 to vector<1024xf32>
    %add3A_10 = arith.addf %add3A, %add3A_9 : vector<1024xf32>
    %rsqrt3A = math.rsqrt %add3A_10 : vector<1024xf32>
    %broadcast_in_dim3A = vector.shape_cast %rsqrt3A : vector<1024xf32> to vector<1024x1xf32>
    %get3A_11 = arith.constant 0 : index
    %get3A_12 = arith.constant 0 : index
    %get3A_13 = vector.load %arg1[%get3A_11, %get3A_12] : memref<1024x128xf32, #tpu.memory_space<vmem>>, vector<1024x128xf32>
    %get3A_14 = arith.constant 0 : index
    %get3A_15 = arith.constant 0 : index
    %get3A_16 = vector.load %arg5[%get3A_14, %get3A_15] : memref<128x128xf32, #tpu.memory_space<vmem>>, vector<128x128xf32>
    %transpose3A = tpu.transpose %get3A_16, [1, 0] : vector<128x128xf32> -> vector<128x128xf32>
    %sub3A = arith.subf %get3A_16, %transpose3A : vector<128x128xf32>
    %iota3A = tpu.iota {dimensions = array<i32: 0>} : vector<128x128xi32>
    %iota3A_17 = tpu.iota {dimensions = array<i32: 1>} : vector<128x128xi32>
    %add3A_18 = arith.constant 0 : i32
    %add3A_19 = vector.broadcast %add3A_18 : i32 to vector<128x128xi32>
    %add3A_20 = arith.addi %iota3A, %add3A_19 : vector<128x128xi32>
    %eq3A = arith.cmpi eq, %add3A_20, %iota3A_17 : vector<128x128xi32>
    %convert_element_type3A = arith.extui %eq3A : vector<128x128xi1> to vector<128x128xi32>
    %convert_element_type3A_21 = arith.sitofp %convert_element_type3A : vector<128x128xi32> to vector<128x128xf32>
    %mul3A_22 = arith.constant 1.000000e-01 : f32
    %mul3A_23 = vector.broadcast %mul3A_22 : f32 to vector<128x128xf32>
    %mul3A_24 = arith.mulf %mul3A_23, %convert_element_type3A_21 : vector<128x128xf32>
    %sub3A_25 = arith.subf %sub3A, %mul3A_24 : vector<128x128xf32>
    %get3A_26 = arith.constant 0 : index
    %get3A_27 = arith.constant 0 : index
    %get3A_28 = arith.constant 0 : index
    %get3A_29 = vector.load %arg3[%get3A_26, %get3A_27, %get3A_28] : memref<2x1024x128xf32, #tpu.memory_space<vmem>>, vector<1x1024x128xf32>
    %get3A_30 = vector.shape_cast %get3A_29 : vector<1x1024x128xf32> to vector<1024x128xf32>
    %get3A_31 = arith.constant 1 : index
    %get3A_32 = arith.constant 0 : index
    %get3A_33 = arith.constant 0 : index
    %get3A_34 = vector.load %arg3[%get3A_31, %get3A_32, %get3A_33] : memref<2x1024x128xf32, #tpu.memory_space<vmem>>, vector<1x1024x128xf32>
    %get3A_35 = vector.shape_cast %get3A_34 : vector<1x1024x128xf32> to vector<1024x128xf32>
    %add3A_36 = arith.addf %get3A_30, %get3A_35 : vector<1024x128xf32>
    %get3A_37 = arith.constant 0 : index
    %get3A_38 = arith.constant 0 : index
    %get3A_39 = vector.load %arg2[%get3A_37, %get3A_38] : memref<1024x128xf32, #tpu.memory_space<vmem>>, vector<1024x128xf32>
    %add3A_40 = arith.addf %add3A_36, %get3A_39 : vector<1024x128xf32>
    %mul3A_41 = vector.broadcast %broadcast_in_dim3A : vector<1024x1xf32> to vector<1024x128xf32>
    %mul3A_42 = arith.mulf %mul3A_41, %add3A_40 : vector<1024x128xf32>
    %dot_general3A = arith.constant dense<0.000000e+00> : vector<1024x128xf32>
    %dot_general3A_43 = tpu.matmul %get3A_13, %sub3A_25, %dot_general3A {dimension_numbers = #tpu.dot_dimension_numbers<[1], [0], [0], [1], [0, 0, 1, 1], [], []>, transpose_lhs_hint = false} : vector<1024x128xf32>, vector<128x128xf32>, vector<1024x128xf32> -> vector<1024x128xf32>
    %add3A_44 = arith.addf %dot_general3A_43, %mul3A_42 : vector<1024x128xf32>
    %get3A_45 = arith.constant 0 : index
    %get3A_46 = arith.constant 0 : index
    %get3A_47 = vector.load %arg6[%get3A_45, %get3A_46] : memref<1x128xf32, #tpu.memory_space<vmem>>, vector<1x128xf32>
    %add3A_48 = vector.broadcast %get3A_47 : vector<1x128xf32> to vector<1024x128xf32>
    %add3A_49 = arith.addf %add3A_44, %add3A_48 : vector<1024x128xf32>
    %tanh3A = math.tanh %add3A_49 : vector<1024x128xf32>
    %mul3A_50 = arith.constant 1.000000e-01 : f32
    %mul3A_51 = vector.broadcast %mul3A_50 : f32 to vector<1024x128xf32>
    %mul3A_52 = arith.mulf %mul3A_51, %tanh3A : vector<1024x128xf32>
    %add3A_53 = arith.addf %get3A_13, %mul3A_52 : vector<1024x128xf32>
    %swap3A = arith.constant 0 : index
    %swap3A_54 = arith.constant 0 : index
    %swap3A_55 = vector.load %arg8[%swap3A, %swap3A_54] : memref<1024x128xf32, #tpu.memory_space<vmem>>, vector<1024x128xf32>
    tpu.vector_store %arg8[%swap3A, %swap3A_54], %add3A_53 {strides = array<i32>} : memref<1024x128xf32, #tpu.memory_space<vmem>>, vector<1024x128xf32>,
    %get3A_56 = arith.constant 0 : index
    %get3A_57 = arith.constant 0 : index
    %get3A_58 = vector.load %arg7[%get3A_56, %get3A_57] : memref<128x128xf32, #tpu.memory_space<vmem>>, vector<128x128xf32>
    %transpose3A_59 = tpu.transpose %get3A_58, [1, 0] : vector<128x128xf32> -> vector<128x128xf32>
    %dot_general3A_60 = arith.constant dense<0.000000e+00> : vector<1024x128xf32>
    %dot_general3A_61 = tpu.matmul %add3A_53, %transpose3A_59, %dot_general3A_60 {dimension_numbers = #tpu.dot_dimension_numbers<[1], [0], [0], [1], [0, 0, 1, 1], [], []>, transpose_lhs_hint = false} : vector<1024x128xf32>, vector<128x128xf32>, vector<1024x128xf32> -> vector<1024x128xf32>
    %mul3A_62 = vector.broadcast %broadcast_in_dim3A : vector<1024x1xf32> to vector<1024x128xf32>
    %mul3A_63 = arith.mulf %mul3A_62, %dot_general3A_61 : vector<1024x128xf32>
    %swap3A_64 = arith.constant 0 : index
    %swap3A_65 = arith.constant 0 : index
    %swap3A_66 = vector.load %arg9[%swap3A_64, %swap3A_65] : memref<1024x128xf32, #tpu.memory_space<vmem>>, vector<1024x128xf32>
    tpu.vector_store %arg9[%swap3A_64, %swap3A_65], %mul3A_63 {strides = array<i32>} : memref<1024x128xf32, #tpu.memory_space<vmem>>, vector<1024x128xf32>,
    return
  }
  func.func @transform_0(%arg0: i32) -> (i32, i32) {
    %c0_i32 = arith.constant 0 : i32
    %c0_i32_0 = arith.constant 0 : i32
    return %arg0, %c0_i32 : i32, i32
  }
  func.func @transform_1(%arg0: i32) -> (i32, i32) {
    %c0_i32 = arith.constant 0 : i32
    %c0_i32_0 = arith.constant 0 : i32
    return %arg0, %c0_i32 : i32, i32
  }
  func.func @transform_2(%arg0: i32) -> (i32, i32, i32) {
    %c0_i32 = arith.constant 0 : i32
    %c0_i32_0 = arith.constant 0 : i32
    %c0_i32_1 = arith.constant 0 : i32
    return %c0_i32, %arg0, %c0_i32_0 : i32, i32, i32
  }
  func.func @transform_3(%arg0: i32) -> (i32, i32) {
    %c0_i32 = arith.constant 0 : i32
    %c0_i32_0 = arith.constant 0 : i32
    %c0_i32_1 = arith.constant 0 : i32
    return %c0_i32, %c0_i32_0 : i32, i32
  }
  func.func @transform_4(%arg0: i32) -> (i32, i32) {
    %c0_i32 = arith.constant 0 : i32
    %c0_i32_0 = arith.constant 0 : i32
    %c0_i32_1 = arith.constant 0 : i32
    return %c0_i32, %c0_i32_0 : i32, i32
  }
  func.func @transform_5(%arg0: i32) -> (i32, i32) {
    %c0_i32 = arith.constant 0 : i32
    %c0_i32_0 = arith.constant 0 : i32
    %c0_i32_1 = arith.constant 0 : i32
    return %c0_i32, %c0_i32_0 : i32, i32
  }
  func.func @transform_6(%arg0: i32) -> (i32, i32) {
    %c0_i32 = arith.constant 0 : i32
    %c0_i32_0 = arith.constant 0 : i32
    %c0_i32_1 = arith.constant 0 : i32
    return %c0_i32, %c0_i32_0 : i32, i32
  }
  func.func @transform_7(%arg0: i32) -> (i32, i32) {
    %c0_i32 = arith.constant 0 : i32
    %c0_i32_0 = arith.constant 0 : i32
    return %arg0, %c0_i32 : i32, i32
  }
  func.func @transform_8(%arg0: i32) -> (i32, i32) {
    %c0_i32 = arith.constant 0 : i32
    %c0_i32_0 = arith.constant 0 : i32
    return %arg0, %c0_i32 : i32, i32
  }
}

module attributes {stable_mosaic.version = 14 : i64} {
  func.func @_tck3_body(%arg0: i32, %arg1: memref<1024x128xf32, #tpu.memory_space<vmem>>, %arg2: memref<1024x128xf32, #tpu.memory_space<vmem>>, %arg3: memref<2x1024x128xf32, #tpu.memory_space<vmem>>, %arg4: memref<2x10240xf32, #tpu.memory_space<vmem>>, %arg5: memref<128x128xf32, #tpu.memory_space<vmem>>, %arg6: memref<1x128xf32, #tpu.memory_space<vmem>>, %arg7: memref<40x128xf32, #tpu.memory_space<vmem>>, %arg8: memref<1x40xf32, #tpu.memory_space<vmem>>, %arg9: memref<1024x128xf32, #tpu.memory_space<vmem>>, %arg10: memref<1024x40xf32, #tpu.memory_space<vmem>>) attributes {dimension_semantics = [#tpu.dimension_semantics<arbitrary>], iteration_bounds = array<i64: 10>, scalar_prefetch = 0 : i64, scratch_operands = 0 : i64, tpu.core_type = #tpu.core_type<tc>, window_params = [{transform_indices = @transform_0, window_bounds = array<i64: 1024, 128>}, {transform_indices = @transform_1, window_bounds = array<i64: 1024, 128>}, {transform_indices = @transform_2, window_bounds = array<i64: 2, 1024, 128>}, {pipeline_mode = #tpu.pipeline_mode<synchronous>, transform_indices = @transform_3, window_bounds = array<i64: 2, 10240>}, {pipeline_mode = #tpu.pipeline_mode<synchronous>, transform_indices = @transform_4, window_bounds = array<i64: 128, 128>}, {pipeline_mode = #tpu.pipeline_mode<synchronous>, transform_indices = @transform_5, window_bounds = array<i64: 1, 128>}, {pipeline_mode = #tpu.pipeline_mode<synchronous>, transform_indices = @transform_6, window_bounds = array<i64: 40, 128>}, {pipeline_mode = #tpu.pipeline_mode<synchronous>, transform_indices = @transform_7, window_bounds = array<i64: 1, 40>}, {transform_indices = @transform_8, window_bounds = array<i64: 1024, 128>}, {transform_indices = @transform_9, window_bounds = array<i64: 1024, 40>}]} {
    %mul3A = arith.constant 1024 : i32
    %mul3A_0 = arith.muli %arg0, %mul3A : i32
    %get3A = arith.constant 0 : index
    %get3A_1 = arith.index_cast %mul3A_0 : i32 to index
    %get3A_2 = vector.load %arg4[%get3A, %get3A_1] : memref<2x10240xf32, #tpu.memory_space<vmem>>, vector<1x1024xf32>
    %get3A_3 = vector.shape_cast %get3A_2 : vector<1x1024xf32> to vector<1024xf32>
    %get3A_4 = arith.constant 1 : index
    %get3A_5 = arith.index_cast %mul3A_0 : i32 to index
    %get3A_6 = vector.load %arg4[%get3A_4, %get3A_5] : memref<2x10240xf32, #tpu.memory_space<vmem>>, vector<1x1024xf32>
    %get3A_7 = vector.shape_cast %get3A_6 : vector<1x1024xf32> to vector<1024xf32>
    %add3A = arith.addf %get3A_3, %get3A_7 : vector<1024xf32>
    %add3A_8 = arith.constant 1.000000e+00 : f32
    %add3A_9 = vector.broadcast %add3A_8 : f32 to vector<1024xf32>
    %add3A_10 = arith.addf %add3A, %add3A_9 : vector<1024xf32>
    %rsqrt3A = math.rsqrt %add3A_10 : vector<1024xf32>
    %broadcast_in_dim3A = vector.shape_cast %rsqrt3A : vector<1024xf32> to vector<1024x1xf32>
    %get3A_11 = arith.constant 0 : index
    %get3A_12 = arith.constant 0 : index
    %get3A_13 = vector.load %arg1[%get3A_11, %get3A_12] : memref<1024x128xf32, #tpu.memory_space<vmem>>, vector<1024x128xf32>
    %get3A_14 = arith.constant 0 : index
    %get3A_15 = arith.constant 0 : index
    %get3A_16 = vector.load %arg5[%get3A_14, %get3A_15] : memref<128x128xf32, #tpu.memory_space<vmem>>, vector<128x128xf32>
    %transpose3A = tpu.transpose %get3A_16, [1, 0] : vector<128x128xf32> -> vector<128x128xf32>
    %sub3A = arith.subf %get3A_16, %transpose3A : vector<128x128xf32>
    %iota3A = tpu.iota {dimensions = array<i32: 0>} : vector<128x128xi32>
    %iota3A_17 = tpu.iota {dimensions = array<i32: 1>} : vector<128x128xi32>
    %add3A_18 = arith.constant 0 : i32
    %add3A_19 = vector.broadcast %add3A_18 : i32 to vector<128x128xi32>
    %add3A_20 = arith.addi %iota3A, %add3A_19 : vector<128x128xi32>
    %eq3A = arith.cmpi eq, %add3A_20, %iota3A_17 : vector<128x128xi32>
    %convert_element_type3A = arith.extui %eq3A : vector<128x128xi1> to vector<128x128xi32>
    %convert_element_type3A_21 = arith.sitofp %convert_element_type3A : vector<128x128xi32> to vector<128x128xf32>
    %mul3A_22 = arith.constant 1.000000e-01 : f32
    %mul3A_23 = vector.broadcast %mul3A_22 : f32 to vector<128x128xf32>
    %mul3A_24 = arith.mulf %mul3A_23, %convert_element_type3A_21 : vector<128x128xf32>
    %sub3A_25 = arith.subf %sub3A, %mul3A_24 : vector<128x128xf32>
    %get3A_26 = arith.constant 0 : index
    %get3A_27 = arith.constant 0 : index
    %get3A_28 = arith.constant 0 : index
    %get3A_29 = vector.load %arg3[%get3A_26, %get3A_27, %get3A_28] : memref<2x1024x128xf32, #tpu.memory_space<vmem>>, vector<1x1024x128xf32>
    %get3A_30 = vector.shape_cast %get3A_29 : vector<1x1024x128xf32> to vector<1024x128xf32>
    %get3A_31 = arith.constant 1 : index
    %get3A_32 = arith.constant 0 : index
    %get3A_33 = arith.constant 0 : index
    %get3A_34 = vector.load %arg3[%get3A_31, %get3A_32, %get3A_33] : memref<2x1024x128xf32, #tpu.memory_space<vmem>>, vector<1x1024x128xf32>
    %get3A_35 = vector.shape_cast %get3A_34 : vector<1x1024x128xf32> to vector<1024x128xf32>
    %add3A_36 = arith.addf %get3A_30, %get3A_35 : vector<1024x128xf32>
    %get3A_37 = arith.constant 0 : index
    %get3A_38 = arith.constant 0 : index
    %get3A_39 = vector.load %arg2[%get3A_37, %get3A_38] : memref<1024x128xf32, #tpu.memory_space<vmem>>, vector<1024x128xf32>
    %add3A_40 = arith.addf %add3A_36, %get3A_39 : vector<1024x128xf32>
    %mul3A_41 = vector.broadcast %broadcast_in_dim3A : vector<1024x1xf32> to vector<1024x128xf32>
    %mul3A_42 = arith.mulf %mul3A_41, %add3A_40 : vector<1024x128xf32>
    %dot_general3A = arith.constant dense<0.000000e+00> : vector<1024x128xf32>
    %dot_general3A_43 = tpu.matmul %get3A_13, %sub3A_25, %dot_general3A {dimension_numbers = #tpu.dot_dimension_numbers<[1], [0], [0], [1], [0, 0, 1, 1], [], []>, transpose_lhs_hint = false} : vector<1024x128xf32>, vector<128x128xf32>, vector<1024x128xf32> -> vector<1024x128xf32>
    %add3A_44 = arith.addf %dot_general3A_43, %mul3A_42 : vector<1024x128xf32>
    %get3A_45 = arith.constant 0 : index
    %get3A_46 = arith.constant 0 : index
    %get3A_47 = vector.load %arg6[%get3A_45, %get3A_46] : memref<1x128xf32, #tpu.memory_space<vmem>>, vector<1x128xf32>
    %add3A_48 = vector.broadcast %get3A_47 : vector<1x128xf32> to vector<1024x128xf32>
    %add3A_49 = arith.addf %add3A_44, %add3A_48 : vector<1024x128xf32>
    %tanh3A = math.tanh %add3A_49 : vector<1024x128xf32>
    %mul3A_50 = arith.constant 1.000000e-01 : f32
    %mul3A_51 = vector.broadcast %mul3A_50 : f32 to vector<1024x128xf32>
    %mul3A_52 = arith.mulf %mul3A_51, %tanh3A : vector<1024x128xf32>
    %add3A_53 = arith.addf %get3A_13, %mul3A_52 : vector<1024x128xf32>
    %swap3A = arith.constant 0 : index
    %swap3A_54 = arith.constant 0 : index
    %swap3A_55 = vector.load %arg9[%swap3A, %swap3A_54] : memref<1024x128xf32, #tpu.memory_space<vmem>>, vector<1024x128xf32>
    tpu.vector_store %arg9[%swap3A, %swap3A_54], %add3A_53 {strides = array<i32>} : memref<1024x128xf32, #tpu.memory_space<vmem>>, vector<1024x128xf32>,
    %get3A_56 = arith.constant 0 : index
    %get3A_57 = arith.constant 0 : index
    %get3A_58 = vector.load %arg7[%get3A_56, %get3A_57] : memref<40x128xf32, #tpu.memory_space<vmem>>, vector<40x128xf32>
    %transpose3A_59 = tpu.transpose %get3A_58, [1, 0] : vector<40x128xf32> -> vector<128x40xf32>
    %dot_general3A_60 = arith.constant dense<0.000000e+00> : vector<1024x40xf32>
    %dot_general3A_61 = tpu.matmul %add3A_53, %transpose3A_59, %dot_general3A_60 {dimension_numbers = #tpu.dot_dimension_numbers<[1], [0], [0], [1], [0, 0, 1, 1], [], []>, transpose_lhs_hint = false} : vector<1024x128xf32>, vector<128x40xf32>, vector<1024x40xf32> -> vector<1024x40xf32>
    %get3A_62 = arith.constant 0 : index
    %get3A_63 = arith.constant 0 : index
    %get3A_64 = vector.load %arg8[%get3A_62, %get3A_63] : memref<1x40xf32, #tpu.memory_space<vmem>>, vector<1x40xf32>
    %add3A_65 = vector.broadcast %get3A_64 : vector<1x40xf32> to vector<1024x40xf32>
    %add3A_66 = arith.addf %dot_general3A_61, %add3A_65 : vector<1024x40xf32>
    %swap3A_67 = arith.constant 0 : index
    %swap3A_68 = arith.constant 0 : index
    %swap3A_69 = vector.load %arg10[%swap3A_67, %swap3A_68] : memref<1024x40xf32, #tpu.memory_space<vmem>>, vector<1024x40xf32>
    tpu.vector_store %arg10[%swap3A_67, %swap3A_68], %add3A_66 {strides = array<i32>} : memref<1024x40xf32, #tpu.memory_space<vmem>>, vector<1024x40xf32>,
    return
  }
  func.func @transform_0(%arg0: i32) -> (i32, i32) {
    %c0_i32 = arith.constant 0 : i32
    %c0_i32_0 = arith.constant 0 : i32
    return %arg0, %c0_i32 : i32, i32
  }
  func.func @transform_1(%arg0: i32) -> (i32, i32) {
    %c0_i32 = arith.constant 0 : i32
    %c0_i32_0 = arith.constant 0 : i32
    return %arg0, %c0_i32 : i32, i32
  }
  func.func @transform_2(%arg0: i32) -> (i32, i32, i32) {
    %c0_i32 = arith.constant 0 : i32
    %c0_i32_0 = arith.constant 0 : i32
    %c0_i32_1 = arith.constant 0 : i32
    return %c0_i32, %arg0, %c0_i32_0 : i32, i32, i32
  }
  func.func @transform_3(%arg0: i32) -> (i32, i32) {
    %c0_i32 = arith.constant 0 : i32
    %c0_i32_0 = arith.constant 0 : i32
    %c0_i32_1 = arith.constant 0 : i32
    return %c0_i32, %c0_i32_0 : i32, i32
  }
  func.func @transform_4(%arg0: i32) -> (i32, i32) {
    %c0_i32 = arith.constant 0 : i32
    %c0_i32_0 = arith.constant 0 : i32
    %c0_i32_1 = arith.constant 0 : i32
    return %c0_i32, %c0_i32_0 : i32, i32
  }
  func.func @transform_5(%arg0: i32) -> (i32, i32) {
    %c0_i32 = arith.constant 0 : i32
    %c0_i32_0 = arith.constant 0 : i32
    %c0_i32_1 = arith.constant 0 : i32
    return %c0_i32, %c0_i32_0 : i32, i32
  }
  func.func @transform_6(%arg0: i32) -> (i32, i32) {
    %c0_i32 = arith.constant 0 : i32
    %c0_i32_0 = arith.constant 0 : i32
    %c0_i32_1 = arith.constant 0 : i32
    return %c0_i32, %c0_i32_0 : i32, i32
  }
  func.func @transform_7(%arg0: i32) -> (i32, i32) {
    %c0_i32 = arith.constant 0 : i32
    %c0_i32_0 = arith.constant 0 : i32
    %c0_i32_1 = arith.constant 0 : i32
    return %c0_i32, %c0_i32_0 : i32, i32
  }
  func.func @transform_8(%arg0: i32) -> (i32, i32) {
    %c0_i32 = arith.constant 0 : i32
    %c0_i32_0 = arith.constant 0 : i32
    return %arg0, %c0_i32 : i32, i32
  }
  func.func @transform_9(%arg0: i32) -> (i32, i32) {
    %c0_i32 = arith.constant 0 : i32
    %c0_i32_0 = arith.constant 0 : i32
    return %arg0, %c0_i32 : i32, i32
  }
}

</mosaic_0001>

<sc_bundles>
// kernel: kernel.12.cloned.1.call-start
scs
__scs_entry_jumppad:
0x0: {  	(pc) =	sbr.rel $0x88, $3  }
0x1: {  	(tag) =	ssettag $0x0;
	lr =	simm.s32 $0x1  }
0x2: {  	[smem:$0x3F96] =	sst lr;
	_ =	strace $0xD0000000  }
0x3: {  	_ = 	snop  }
0x4: {  	_ = 	snop  }
0x5: {  	_ = 	snop  }
0x6: {  	_ = 	snop  }
0x7: {  	_ = 	snop  }
__scs_overlays_trampoline_lowered:
0x8: {  	[smem:$0x3FA5] =	sst s0  }
0x9: {  	[smem:$0x3FA6] =	sst s1  }
0xa: {  	[smem:$0x3FA7] =	sst s2  }
0xb: {  	[smem:$0x3FA8] =	sst s3  }
0xc: {  	[smem:$0x3FA9] =	sst s4  }
0xd: {  	[smem:$0x3FAA] =	sst s5  }
0xe: {  	[smem:$0x3FAB] =	sst s6  }
0xf: {  	[smem:$0x3FAC] =	sst s7  }
0x10: {  	[smem:$0x3FAD] =	sst s8  }
0x11: {  	[smem:$0x3FAE] =	sst s9;
	s0 =	simm.s32 @!p0 $0x0  }
0x12: {  	s1 =	sld [smem:$0x3F94];
	s0 =	simm.s32 @p0 $0x1  }
0x13: {  	[smem:$0x3FAF] =	sst s0;
	s0 =	simm.s32 @!p1 $0x0  }
0x14: {  	s2 =	sld [smem:$0x3F93];
	s0 =	simm.s32 @p1 $0x1  }
0x15: {  	[smem:$0x3FB0] =	sst s0;
	s0 =	simm.s32 @!p2 $0x0  }
0x16: {  	s3 =	sld [smem:$0x3FDB];
	s0 =	simm.s32 @p2 $0x1  }
0x17: {  	s4 =	simm.s32 $0x1BF5;
	[smem:$0x3FB2] =	sst s0  }
0x18: {  	s0 =	sld [smem:$0x3F95];
	_ =	swait.ge [sflag:s4], $0x0  }
0x19: {  	s7 =	sld [smem:$0x3F96]  }
0x1a: {  	s8 =	sadd.s32 $0xFFFFE003, lr  }
0x1b: {  	s9 =	sadd.s32 $0xFFFFFEF7, lr;
	s5 =	simm.s32 $0xFFFFFFFF;
	p2 =	slt.u32 s8, $0xFFFFF086  }
0x1c: {  	p1 =	slt.u32 s9, $0xF7A;
	s5 =	simm.s32 @!p2 $0x0  }
0x1d: {  	s5 =	simm.s32 @p1 $0x1;
	p0 =	seq.s32 s7, s2  }
0x1e: {  	s7 =	smul.u32 @!p0 $0xF7A, s2;
	p2 =	seq.s32 @!p0 s5, $0x0  }
0x1f: {  	s9 =	smul.u32 $0xF7A, s1;
	s8 =	simm.s32 @!p0 $0x1BF5;
	p2 =	por !p2, p0  }
0x20: {  	[sflag:s8] =	ssyncset.s32 @!p0 $0xFFFFF086;
	s6 =	sadd.s32 @!p0 s3, s7;
	s7 =	simm.s32 @!p0 $0x108  }
0x21: {  	s3 =	sadd.s32 s3, s9;
	s6 =	sadd.s32 @!p0 $0x88, s6;
	s7 =	simm.s32 @p2 $0x1082  }
0x22: {  	[simem:s7], [sflag:s8] =	dma.local @!p0 [hbm:s6], $0xF7A  }
0x23: {  	s9 =	sor.u32 $0xD0000000, s2;
	s6 =	simm.s32 $0x108;
	_ =	swait.ge @!p0 [sflag:s8], $0x0  }
0x24: {  	s3 =	sadd.s32 $0x88, s3;
	s6 =	simm.s32 @!p1 $0x1082;
	[sflag:s4] =	ssyncset.s32 $0xFFFFF086  }
0x25: {  	[simem:s6], [sflag:s4] =	dma.local [hbm:s3], $0xF7A  }
0x26: {  	[smem:$0x3F96] =	sst s1;
	(tag) =	ssettag s2;
	_ =	strace s9  }
0x27: {  	s1 =	sld [smem:$0x3FA6]  }
0x28: {  	s2 =	sld [smem:$0x3FA7]  }
0x29: {  	s4 =	sld [smem:$0x3FA9]  }
0x2a: {  	p0 =	seq.s32 s5, $0x0;
	s5 =	sld [smem:$0x3FAA]  }
0x2b: {  	s6 =	sld [smem:$0x3FAB]  }
0x2c: {  	s7 =	sld [smem:$0x3FAC]  }
0x2d: {  	s3 =	simm.s32 $0x108;
	s8 =	sld [smem:$0x3FAD]  }
0x2e: {  	s3 =	simm.s32 @!p0 $0x1082;
	s9 =	sld [smem:$0x3FAE]  }
0x2f: {  	lr =	sadd.s32 s0, s3;
	s0 =	sld [smem:$0x3FA5]  }
0x30: {  	s3 =	sld [smem:$0x3FA8]  }
0x31: {  	[smem:$0x3FB1] =	sst s10  }
0x32: {  	s10 =	sld [smem:$0x3FAF];
	_ =	sdelay $0x3  }
0x33: {  	p0 =	seq.s32 s10, $0x1;
	s10 =	sld [smem:$0x3FB1];
	_ =	sdelay $0x3  }
0x34: {  	[smem:$0x3FB1] =	sst s10  }
0x35: {  	s10 =	sld [smem:$0x3FB0];
	_ =	sdelay $0x3  }
0x36: {  	p1 =	seq.s32 s10, $0x1;
	s10 =	sld [smem:$0x3FB1];
	_ =	sdelay $0x3  }
0x37: {  	[smem:$0x3FB1] =	sst s10  }
0x38: {  	s10 =	sld [smem:$0x3FB2]  }
0x39: {  	_ = 	snop;
	(pc) =	sbr.ind lr, $3  }
0x3a: {  	_ = 	snop  }
0x3b: {  	_ = 	snop  }
0x3c: {  	p2 =	seq.s32 s10, $0x1;
	s10 =	sld [smem:$0x3FB1]  }
0x3d: {  	_ =	shalt  }
0x3e: {  	_ =	shalt  }
0x3f: {  	_ =	shalt  }
0x40: {  	_ =	shalt  }
0x41: {  	_ =	shalt  }
0x42: {  	_ =	shalt  }
0x43: {  	_ =	shalt  }
0x44: {  	_ =	shalt  }
0x45: {  	_ =	shalt  }
0x46: {  	_ =	shalt  }
0x47: {  	_ =	shalt  }
0x48: {  	_ =	shalt  }
0x49: {  	_ =	shalt  }
0x4a: {  	_ =	shalt  }
0x4b: {  	_ =	shalt  }
0x4c: {  	_ =	shalt  }
0x4d: {  	_ =	shalt  }
0x4e: {  	_ =	shalt  }
0x4f: {  	_ =	shalt  }
0x50: {  	_ =	shalt  }
0x51: {  	_ =	shalt  }
0x52: {  	_ =	shalt  }
0x53: {  	_ =	shalt  }
0x54: {  	_ =	shalt  }
0x55: {  	_ =	shalt  }
0x56: {  	_ =	shalt  }
0x57: {  	_ =	shalt  }
0x58: {  	_ =	shalt  }
0x59: {  	_ =	shalt  }
0x5a: {  	_ =	shalt  }
0x5b: {  	_ =	shalt  }
0x5c: {  	_ =	shalt  }
0x5d: {  	_ =	shalt  }
0x5e: {  	_ =	shalt  }
0x5f: {  	_ =	shalt  }
0x60: {  	_ =	shalt  }
0x61: {  	_ =	shalt  }
0x62: {  	_ =	shalt  }
0x63: {  	_ =	shalt  }
0x64: {  	_ =	shalt  }
0x65: {  	_ =	shalt  }
0x66: {  	_ =	shalt  }
0x67: {  	_ =	shalt  }
0x68: {  	_ =	shalt  }
0x69: {  	_ =	shalt  }
0x6a: {  	_ =	shalt  }
0x6b: {  	_ =	shalt  }
0x6c: {  	_ =	shalt  }
0x6d: {  	_ =	shalt  }
0x6e: {  	_ =	shalt  }
0x6f: {  	_ =	shalt  }
0x70: {  	_ =	shalt  }
0x71: {  	_ =	shalt  }
0x72: {  	_ =	shalt  }
0x73: {  	_ =	shalt  }
0x74: {  	_ =	shalt  }
0x75: {  	_ =	shalt  }
0x76: {  	_ =	shalt  }
0x77: {  	_ =	shalt  }
0x78: {  	_ =	shalt  }
0x79: {  	_ =	shalt  }
0x7a: {  	_ =	shalt  }
0x7b: {  	_ =	shalt  }
0x7c: {  	_ =	shalt  }
0x7d: {  	_ =	shalt  }
0x7e: {  	_ =	shalt  }
0x7f: {  	_ =	shalt  }
0x80: {  	_ =	shalt  }
0x81: {  	_ =	shalt  }
0x82: {  	_ =	shalt  }
0x83: {  	_ =	shalt  }
0x84: {  	_ =	shalt  }
0x85: {  	_ =	shalt  }
0x86: {  	_ =	shalt  }
0x87: {  	_ =	shalt  }
.Lfunc_end0:
.L_simem_size_0:
called_computation.1_lowered:
.L_overlay_start_0:
0x88: {  	s2 =	sld [smem:$0x3FD9]  }
0x89: {  	s3 =	sld [smem:$0x3FFE];
	_ =	sdelay $0x1  }
0x8a: {  	s1 =	srdreg.scid  }
0x8b: {  	s0 =	sand.u32 $0x1, s1  }
0x8c: {  	s14 =	sshll.u32 s0, $0xA;
	s2 =	sadd.s32 s3, s2  }
0x8d: {  	s2 =	sadd.s32 s2, s14  }
0x8e: {  	[smem:$0x3FBD] =	sst s2  }
0x8f: {  	_ = 	snop  }
0x90: {  	s2 =	sld [smem:$0x3FD0];
	_ =	sdelay $0x2  }
0x91: {  	s15 =	simm.s32 $0xA;
	s4 =	simm.s32 $0x10  }
0x92: {  	[smem:s4], [sflag:s15] =	dma.local [hbm:s2], $0x1  }
0x93: {  	_ =	swait.eq [sflag:s15], $0x1  }
0x94: {  	[sflag:s15] =	ssyncset.done $0x0  }
0x95: {  	s16 =	sld [smem:$0x10];
	[sflag:s15] =	ssyncadd.s32 $0xFFFFFFFF  }
0x96: {  	s17 =	sld [smem:$0x11];
	(tm) =	ssettm $0x1  }
0x97: {  	s18 =	sld [smem:$0x3FFB];
	_ =	sdelay $0x3  }
0x98: {  	_ =	strace s18  }
0x99: {  	s4 =	sld [smem:$0x3FFC];
	_ =	sdelay $0x3  }
0x9a: {  	_ =	strace s4  }
0x9b: {  	s4 =	sld [smem:$0x3FFD];
	_ =	sdelay $0x3  }
0x9c: {  	_ =	strace s4  }
0x9d: {  	_ =	strace $0x8FFFFFFF  }
0x9e: {  	s19 =	sld [smem:$0x3FDB];
	_ =	sdelay $0x1  }
0x9f: {  	s5 =	simm.s32 $_scs_section_size  }
0xa0: {  	s6 =	simm.s32 $_size__tile_overlayer_lowered;
	s7 =	simm.s32 $_tile_overlayer_lowered  }
0xa1: {  	s22 =	simm.s32 $0x1BFF;
	s21 =	sshll.u32 s7, $0x1;
	s4 =	sadd.s32 s5, s19  }
0xa2: {  	s8 =	simm.s32 $0x0;
	s20 =	sshll.u32 s6, $0x1;
	s6 =	sadd.s32 s21, s4  }
0xa3: {  	[timem:s8], [sflag:s22] =	dma.local [hbm:s6], s20  }
0xa4: {  	_ =	swait.ge [sflag:s22], s20  }
0xa5: {  	s5 =	ssub.s32 $0x0, s20;
	[sflag:s22] =	ssyncset.done $0x0  }
0xa6: {  	[sflag:s22] =	ssyncadd.s32 s5;
	_ =	sdelay $0x1  }
0xa7: {  	s23 =	simm.s32 $0x1B8B  }
0xa8: {  	_ =	swait.ge [sflag:s23], $0x1  }
0xa9: {  	[sflag:s23] =	ssyncset.done $0x0  }
0xaa: {  	s25 =	simm.s32 $0x1B8E;
	s24 =	sld [smem:$0x3FFE];
	[sflag:s23] =	ssyncadd.s32 $0xFFFFFFFF  }
0xab: {  	s26 =	simm.s32 $execute0_lowered;
	[smem:$0x3FD2] =	sst s25  }
0xac: {  	s6 =	sshll.u32 s26, $0x1;
	_ =	strace $0x80000049;
	[dreg:$0x1] =	wrdreg $0xFFFFFFFF  }
0xad: {  	s28 =	simm.s32 $_size_execute0_lowered;
	s4 =	sadd.s32 s4, s6;
	[dreg:$0x0] =	wrdreg $0x0  }
0xae: {  	s6 =	sshll.u32 s28, $0x1;
	[dreg:$0x2] =	wrdreg s4  }
0xaf: {  	[dreg:$0x3] =	wrdreg s6  }
0xb0: {  	[dreg:$0x4] =	wrdreg $0xC0  }
0xb1: {  	_ =	task [dreg:s8], $0x5FFFF  }
0xb2: {  	[dreg:$0x1] =	wrdreg $0xFFFFFFFF  }
0xb3: {  	[dreg:$0x0] =	wrdreg $0x60  }
0xb4: {  	[dreg:$0x2] =	wrdreg s16  }
0xb5: {  	[dreg:$0x3] =	wrdreg s24  }
0xb6: {  	[dreg:$0x4] =	wrdreg s17  }
0xb7: {  	[dreg:$0x5] =	wrdreg $0x9F000  }
0xb8: {  	[dreg:$0x6] =	wrdreg $0x9  }
0xb9: {  	_ =	task.clear_ibuf [dreg:s8], $0x7FFFF;
	_ =	strace $0x90000049  }
0xba: {  	s29 =	simm.s32 $0x9;
	_ =	strace $0x8000004B  }
0xbb: {  	_ =	swait.ge [sflag:s29], $0x1  }
0xbc: {  	[sflag:s29] =	ssyncadd.s32 $0xFFFFFFFF  }
0xbd: {  	_ =	strace $0x9000004B  }
0xbe: {  	_ =	sfence  }
0xbf: {  	s30 =	sld [smem:$0x0];
	_ =	sdelay $0x2  }
0xc0: {  	s31 =	sshll.u32 s1, $0xD;
	s1 =	sshrl.u32 s1, $0x2  }
0xc1: {  	s3 =	sand.u32 $0x4000, s31;
	s1 =	sadd.s32 s1, s30  }
0xc2: {  	s0 =	sor.u32 s3, s0;
	s1 =	sshll.u32 s1, $0x11  }
0xc3: {  	s0 =	sor.u32 s1, s0  }
0xc4: {  	s0 =	sadd.s32 $0x8F2B, s0  }
0xc5: {  	[sflag:s0] =	ssyncadd.remote.s32 $0x1  }
0xc6: {  	_ =	sfence.sel $0xFFFF  }
0xc7: {  	[dreg:$0x0] =	wrdreg $0xFFFFFFFF;
	(pc) =	sbr.abs _section_cstart, $3  }
0xc8: {  	[dreg:$0x1] =	wrdreg $0xFFFFFFFF  }
0xc9: {  	_ =	task.clear_ibuf [dreg:s8], $0x2FFFF;
	_ =	strace $0x9FFFFFFF  }
0xca: {  	(tm) =	ssettm $0x7FFFFFFF  }
0xcb: {  	_ =	shalt  }
tec
execute0_lowered:
.L_overlay_start_1:
0x0: {  	(tag) =	ssettag $0x1  }
0x1: {  	s1 =	rddreg [dreg:$0x0]  }
0x2: {  	s5 =	rddreg [dreg:$0x1]  }
0x3: {  	s6 =	rddreg [dreg:$0x2]  }
0x4: {  	s2 =	rddreg [dreg:$0x3]  }
0x5: {  	s3 =	srdreg.scid;
	s0 =	rddreg [dreg:$0x4]  }
0x6: {  	s4 =	simm.s32 $0x0;
	s17 =	simm.s32 $0x2780;
	s18 =	simm.s32 $0x4F00  }
0x7: {  	s19 =	simm.s32 $0x1;
	s20 =	simm.s32 $0x2;
	s21 =	simm.s32 $0x50  }
0x8: {  	s22 =	simm.s32 $0x7700;
	s23 =	simm.s32 $0x3;
	s7 =	sand.u32 $0x1, s3  }
0x9: {  	s24 =	simm.s32 $0x4E40;
	s3 =	stileid.u32;
	s8 =	smul.u32 $0x140000, s7  }
0xa: {  	[smem:$0x7FF] =	sst s4;
	s9 =	sshll.u32 s3, $0x1;
	s10 =	smul.u32 $0x14000, s3  }
0xb: {  	_ =	strace $0x8000004A;
	s11 =	smul.u32 $0x50000, s3;
	s9 =	sor.u32 s7, s9  }
0xc: {  	s7 =	ssub.s32 $0x2, s7;
	s9 =	smul.u32 $0x4E2, s9;
	s8 =	sadd.s32 s10, s8  }
0xd: {  	s30 =	sshrl.u32 s7, $0x1;
	s31 =	sshrl.u32 s11, $0x2;
	s8 =	sshrl.u32 s8, $0x3  }
0xe: {  	s10 =	ssub.s32 s7, s30;
	s12 =	sadd.s32 s9, s5;
	s8 =	sadd.s32 s8, s5  }
0xf: {  	s6 =	sadd.s32 s6, s9;
	s7 =	sadd.s32 $0xD800, s8;
	s8 =	sadd.s32 s31, s2  }
0x10: {  	s9 =	smax.u32 s10, $0x1;
	s5 =	sadd.s32 $0x3A00, s12;
	s10 =	sadd.s32 $0x2800, s8  }
0x11: {  	s11 =	sadd.s32 $0x5000, s8;
	s12 =	sadd.s32 $0x7800, s8;
	s13 =	sadd.s32 $0xA000, s8  }
0x12: {  	v0 =	vimm.f32 $0.0e+00;
	s14 =	sadd.s32 $0xC800, s8;
	s15 =	sadd.s32 $0xF000, s8;
	s16 =	sadd.s32 $0x11800, s8  }
.LBB2_1:
0x13: {  	s25 =	simm.s32 $0x70;
	s26 =	simm.s32 $0x3C0  }
.LBB2_2:
0x14: {  	p0 =	sne.s32 s26, $0x9FC0;
	[tilespmem:s25+$0x4F00] =	vst v0  }
0x15: {  	[tilespmem:s25+$0x4E90] =	vst v0  }
0x16: {  	[tilespmem:s25+$0x4EA0] =	vst v0  }
.Ltmp0:
0x17: {  	[tilespmem:s25+$0x4EB0] =	vst v0;
	(pc) =	sbr.rel @p0 .LBB2_2-.Ltmp0, $4  }
0x18: {  	[tilespmem:s25+$0x4EC0] =	vst v0  }
0x19: {  	[tilespmem:s25+$0x4ED0] =	vst v0  }
0x1a: {  	[tilespmem:s25+$0x4EE0] =	vst v0  }
0x1b: {  	[tilespmem:s25+$0x4EF0] =	vst v0;
	s25 =	sshra.s32 s26, $0x2;
	s26 =	sadd.s32 $0x200, s26  }
0x1c: {  	[tilespmem:s25+$0x4F00] =	vst v0  }
0x1d: {  	[tilespmem:s25+$0x4E90] =	vst v0  }
0x1e: {  	[tilespmem:s25+$0x4EA0] =	vst v0  }
0x1f: {  	[tilespmem:s25+$0x4EB0] =	vst v0  }
0x20: {  	[tilespmem:s25+$0x4EC0] =	vst v0  }
0x21: {  	[tilespmem:s25+$0x4ED0] =	vst v0  }
0x22: {  	[tilespmem:s25+$0x4EE0] =	vst v0  }
0x23: {  	[tilespmem:s25+$0x4EF0] =	vst v0;
	s26 =	simm.s32 $0x0  }
0x24: {  	[tilespmem:s26], [sflag:$0x2] =	stream.linear.gather [hbm4b:s5+s26], $0x2710, $0x38;
	[tilespmem:$0x1DF00] =	vst v63  }
0x25: {  	_ = 	snop  }
0x26: {  	[tilespmem:s17], [sflag:$0x2] =	stream.linear.gather [hbm4b:s6+s26], $0x2710, $0x38;
	[tilespmem:$0x1DF00] =	vst v63  }
0x27: {  	_ = 	snop  }
0x28: {  	[spmem:s8] =	stream.linear.scatter [tilespmem:s18], [sflag:$0x1], $0x2800, $0x38;
	[tilespmem:$0x1DF00] =	vst v63  }
0x29: {  	_ = 	snop  }
0x2a: {  	[spmem:s10] =	stream.linear.scatter [tilespmem:s18], [sflag:$0x1], $0x2800, $0x38;
	[tilespmem:$0x1DF00] =	vst v63  }
0x2b: {  	_ = 	snop  }
0x2c: {  	[spmem:s11] =	stream.linear.scatter [tilespmem:s18], [sflag:$0x1], $0x2800, $0x38;
	[tilespmem:$0x1DF00] =	vst v63  }
0x2d: {  	_ = 	snop  }
0x2e: {  	[spmem:s12] =	stream.linear.scatter [tilespmem:s18], [sflag:$0x1], $0x2800, $0x38;
	[tilespmem:$0x1DF00] =	vst v63  }
0x2f: {  	_ = 	snop  }
0x30: {  	[spmem:s13] =	stream.linear.scatter [tilespmem:s18], [sflag:$0x1], $0x2800, $0x38;
	[tilespmem:$0x1DF00] =	vst v63  }
0x31: {  	_ = 	snop  }
0x32: {  	[spmem:s14] =	stream.linear.scatter [tilespmem:s18], [sflag:$0x1], $0x2800, $0x38;
	[tilespmem:$0x1DF00] =	vst v63  }
0x33: {  	_ = 	snop  }
0x34: {  	[spmem:s15] =	stream.linear.scatter [tilespmem:s18], [sflag:$0x1], $0x2800, $0x38;
	[tilespmem:$0x1DF00] =	vst v63  }
0x35: {  	_ = 	snop  }
0x36: {  	[spmem:s16] =	stream.linear.scatter [tilespmem:s18], [sflag:$0x1], $0x2800, $0x38;
	[tilespmem:$0x1DF00] =	vst v63  }
0x37: {  	_ =	swait.ge [sflag:s19], $0x2800  }
0x38: {  	[sflag:s19] =	ssyncset.done $0x0  }
0x39: {  	[sflag:s19] =	ssyncadd.s32 $0xFFFFD800  }
0x3a: {  	_ =	swait.ge [sflag:s19], $0x2800  }
0x3b: {  	[sflag:s19] =	ssyncset.done $0x0  }
0x3c: {  	[sflag:s19] =	ssyncadd.s32 $0xFFFFD800  }
0x3d: {  	_ =	swait.ge [sflag:s19], $0x2800  }
0x3e: {  	[sflag:s19] =	ssyncset.done $0x0  }
0x3f: {  	[sflag:s19] =	ssyncadd.s32 $0xFFFFD800  }
0x40: {  	_ =	swait.ge [sflag:s19], $0x2800  }
0x41: {  	[sflag:s19] =	ssyncset.done $0x0  }
0x42: {  	[sflag:s19] =	ssyncadd.s32 $0xFFFFD800  }
0x43: {  	_ =	swait.ge [sflag:s19], $0x2800  }
0x44: {  	[sflag:s19] =	ssyncset.done $0x0  }
0x45: {  	[sflag:s19] =	ssyncadd.s32 $0xFFFFD800  }
0x46: {  	_ =	swait.ge [sflag:s19], $0x2800  }
0x47: {  	[sflag:s19] =	ssyncset.done $0x0  }
0x48: {  	[sflag:s19] =	ssyncadd.s32 $0xFFFFD800  }
0x49: {  	_ =	swait.ge [sflag:s19], $0x2800  }
0x4a: {  	[sflag:s19] =	ssyncset.done $0x0  }
0x4b: {  	[sflag:s19] =	ssyncadd.s32 $0xFFFFD800  }
0x4c: {  	_ =	swait.ge [sflag:s19], $0x2800  }
0x4d: {  	[sflag:s19] =	ssyncset.done $0x0  }
0x4e: {  	[sflag:s19] =	ssyncadd.s32 $0xFFFFD800  }
0x4f: {  	_ =	swait.ge [sflag:s20], $0x2710  }
0x50: {  	[sflag:s20] =	ssyncset.done $0x0  }
0x51: {  	[sflag:s20] =	ssyncadd.s32 $0xFFFFD8F0  }
0x52: {  	_ =	swait.ge [sflag:s20], $0x2710  }
0x53: {  	[sflag:s20] =	ssyncset.done $0x0  }
0x54: {  	[sflag:s20] =	ssyncadd.s32 $0xFFFFD8F0  }
0x55: {  	[bflag:$0x0] =	sbarrier.arrive $0xFFFF  }
0x56: {  	[tilespmem:s18], [sflag:$0x1] =	stream.indirect.gather [hbm4b:s1+s21], $0x80, s26, s21, $0xb8;
	[tilespmem:$0x1DF00] =	vst v63  }
0x57: {  	s28 =	simm.s32 $0x50  }
0x58: {  	[tilespmem:s22], [sflag:$0x2] =	stream.indirect.gather [hbm4b:s1+s21], $0x80, s28, s21, $0xb8;
	[tilespmem:$0x1DF00] =	vst v63  }
0x59: {  	_ =	swait.ge [sflag:s19], $0x2800  }
0x5a: {  	[sflag:s19] =	ssyncset.done $0x0  }
0x5b: {  	s29 =	simm.s32 $0x2780;
	[sflag:s19] =	ssyncadd.s32 $0xFFFFD800  }
0x5c: {  	[spmem:s2] =	stream.indirect.scatter.add.f32 [tilespmem:s18], [sflag:$0x3], $0x80, s29, s21, $0xb8;
	[tilespmem:$0x1DF00] =	vst v63  }
0x5d: {  	_ =	swait.ge [sflag:s23], $0x2800  }
0x5e: {  	[sflag:s23] =	ssyncset.done $0x0  }
0x5f: {  	s30 =	simm.s32 $0xA0;
	[sflag:s23] =	ssyncadd.s32 $0xFFFFD800  }
0x60: {  	[tilespmem:s18], [sflag:$0x1] =	stream.indirect.gather [hbm4b:s1+s21], $0x80, s30, s21, $0xb8;
	[tilespmem:$0x1DF00] =	vst v63  }
0x61: {  	_ =	swait.ge [sflag:s20], $0x2800  }
0x62: {  	[sflag:s20] =	ssyncset.done $0x0  }
0x63: {  	s31 =	simm.s32 $0x27D0;
	[sflag:s20] =	ssyncadd.s32 $0xFFFFD800  }
0x64: {  	[spmem:s2] =	stream.indirect.scatter.add.f32 [tilespmem:s22], [sflag:$0x3], $0x80, s31, s21, $0xb8;
	[tilespmem:$0x1DF00] =	vst v63  }
0x65: {  	_ =	swait.ge [sflag:s23], $0x2800  }
0x66: {  	s25 =	simm.s32 $0xA0;
	s26 =	simm.s32 $0x500;
	[sflag:s23] =	ssyncset.done $0x0  }
.LBB2_4:
0x67: {  	s28 =	sadd.s32 $0x50, s25  }
0x68: {  	[sflag:s23] =	ssyncadd.s32 $0xFFFFD800;
	s29 =	smov.u32 s26;
	s30 =	sadd.s32 $0x280, s26  }
0x69: {  	[tilespmem:s22], [sflag:$0x2] =	stream.indirect.gather [hbm4b:s1+s21], $0x80, s28, s21, $0xb8;
	[tilespmem:$0x1DF00] =	vst v63  }
0x6a: {  	p0 =	sne.s32 s26, $0x9880;
	_ =	swait.ge [sflag:s19], $0x2800  }
0x6b: {  	[sflag:s19] =	ssyncset.done $0x0  }
0x6c: {  	s26 =	sadd.s32 $0x2780, s25;
	[sflag:s19] =	ssyncadd.s32 $0xFFFFD800  }
0x6d: {  	[spmem:s2] =	stream.indirect.scatter.add.f32 [tilespmem:s18], [sflag:$0x3], $0x80, s26, s21, $0xb8;
	[tilespmem:$0x1DF00] =	vst v63  }
0x6e: {  	_ =	swait.ge [sflag:s23], $0x2800  }
0x6f: {  	[sflag:s23] =	ssyncset.done $0x0  }
0x70: {  	s26 =	sadd.s32 $0xA0, s25;
	[sflag:s23] =	ssyncadd.s32 $0xFFFFD800  }
0x71: {  	[tilespmem:s18], [sflag:$0x1] =	stream.indirect.gather [hbm4b:s1+s21], $0x80, s26, s21, $0xb8;
	[tilespmem:$0x1DF00] =	vst v63  }
0x72: {  	_ =	swait.ge [sflag:s20], $0x2800  }
.Ltmp1:
0x73: {  	[sflag:s20] =	ssyncset.done $0x0;
	(pc) =	sbr.rel @p0 .LBB2_4-.Ltmp1, $4  }
0x74: {  	s25 =	sadd.s32 $0x27D0, s25;
	[sflag:s20] =	ssyncadd.s32 $0xFFFFD800  }
0x75: {  	[spmem:s2] =	stream.indirect.scatter.add.f32 [tilespmem:s22], [sflag:$0x3], $0x80, s25, s21, $0xb8;
	[tilespmem:$0x1DF00] =	vst v63  }
0x76: {  	_ =	swait.ge [sflag:s23], $0x2800  }
0x77: {  	s26 =	smov.u32 s30;
	s25 =	sshra.s32 s29, $0x2;
	[sflag:s23] =	ssyncset.done $0x0  }
0x78: {  	s26 =	sadd.s32 $0x50, s25;
	[sflag:s23] =	ssyncadd.s32 $0xFFFFD800  }
0x79: {  	[tilespmem:s22], [sflag:$0x2] =	stream.indirect.gather [hbm4b:s1+s21], $0x80, s26, s21, $0xb8;
	[tilespmem:$0x1DF00] =	vst v63  }
0x7a: {  	_ =	swait.ge [sflag:s19], $0x2800  }
0x7b: {  	[sflag:s19] =	ssyncset.done $0x0  }
0x7c: {  	s31 =	sadd.s32 $0x2780, s25;
	[sflag:s19] =	ssyncadd.s32 $0xFFFFD800  }
0x7d: {  	[spmem:s2] =	stream.indirect.scatter.add.f32 [tilespmem:s18], [sflag:$0x3], $0x80, s31, s21, $0xb8;
	[tilespmem:$0x1DF00] =	vst v63  }
0x7e: {  	_ =	swait.ge [sflag:s23], $0x2800  }
0x7f: {  	[sflag:s23] =	ssyncset.done $0x0  }
0x80: {  	s28 =	sadd.s32 $0xA0, s25;
	[sflag:s23] =	ssyncadd.s32 $0xFFFFD800  }
0x81: {  	[tilespmem:s18], [sflag:$0x1] =	stream.indirect.gather [hbm4b:s1+s21], $0x80, s28, s21, $0xb8;
	[tilespmem:$0x1DF00] =	vst v63  }
0x82: {  	_ =	swait.ge [sflag:s20], $0x2800  }
0x83: {  	[sflag:s20] =	ssyncset.done $0x0  }
0x84: {  	s29 =	sadd.s32 $0x27D0, s25;
	[sflag:s20] =	ssyncadd.s32 $0xFFFFD800  }
0x85: {  	[spmem:s2] =	stream.indirect.scatter.add.f32 [tilespmem:s22], [sflag:$0x3], $0x80, s29, s21, $0xb8;
	[tilespmem:$0x1DF00] =	vst v63  }
0x86: {  	_ =	swait.ge [sflag:s23], $0x2800  }
0x87: {  	[sflag:s23] =	ssyncset.done $0x0  }
0x88: {  	[sflag:s23] =	ssyncadd.s32 $0xFFFFD800  }
0x89: {  	_ =	swait.ge [sflag:s19], $0x2800  }
0x8a: {  	[sflag:s19] =	ssyncset.done $0x0  }
0x8b: {  	[sflag:s19] =	ssyncadd.s32 $0xFFFFD800  }
0x8c: {  	[spmem:s2] =	stream.indirect.scatter.add.f32 [tilespmem:s18], [sflag:$0x3], $0x80, s24, s21, $0xb8;
	[tilespmem:$0x1DF00] =	vst v63  }
0x8d: {  	_ =	swait.ge [sflag:s23], $0x2800  }
0x8e: {  	s30 =	sshll.u32 s3, $0x6;
	s4 =	sadd.s32 $0x1, s4;
	[sflag:s23] =	ssyncset.done $0x0  }
0x8f: {  	s25 =	sor.u32 $0x1C03, s30;
	p0 =	sne.s32 s4, s9;
	[sflag:s23] =	ssyncadd.s32 $0xFFFFD800  }
.Ltmp2:
0x90: {  	s31 =	sshrl.u32 s8, $0x3;
	[bflag:$0x0] =	sbarrier.arrive $0xFFFF;
	(pc) =	sbr.rel @p0 .LBB2_1-.Ltmp2, $4  }
0x91: {  	[hbm:s7], [sflag:s25] =	dma.local [spmem:s31], $0x2800  }
0x92: {  	_ =	swait.ge [sflag:s23], $0x2800  }
0x93: {  	[sflag:s23] =	ssyncset.done $0x0  }
0x94: {  	[sflag:s23] =	ssyncadd.s32 $0xFFFFD800  }
0x95: {  	_ =	sfence.sel $0x180000  }
0x96: {  	[bflag:$0x0] =	sbarrier.arrive $0xFFFF  }
0x97: {  	p0 =	sne.s32 s3, $0x0;
	_ =	strace $0x9000004A  }
0x98: {  	s0 =	sadd.s32 @!p0 $0x100000, s0;
	[bflag:$0x2] =	sbarrier.arrive $0xFFFF  }
0x99: {  	[sflag:s0] =	ssyncadd.tile.s32 @!p0 $0x1;
	_ =	shalt  }
.Lfunc_end2:
_tile_overlayer_lowered:
.L_overlay_start_2:
0x9a: {  	(tag) =	ssettag $0x2  }
0x9b: {  	s0 =	rddreg [dreg:$0x0];
	s2 =	stileid.u32  }
0x9c: {  	s1 =	rddreg [dreg:$0x1];
	p0 =	sne.s32 s2, $0x0  }
0x9d: {  	s3 =	rddreg [dreg:$0x2];
	[bflag:$0x3] =	sbarrier.arrive $0xFFFF;
	s2 =	simm.s32 @!p0 $0x1C03  }
0x9e: {  	[timem:s3], [sflag:s2] =	dma.local @!p0 [hbm:s0], s1  }
0x9f: {  	s0 =	simm.s32 @!p0 $0x3  }
0xa0: {  	_ =	swait.ge @!p0 [sflag:s0], s1  }
0xa1: {  	s1 =	ssub.s32 @!p0 $0x0, s1;
	[sflag:s0] =	ssyncset.done @!p0 $0x0  }
0xa2: {  	[sflag:s0] =	ssyncadd.s32 @!p0 s1  }
0xa3: {  	[bflag:$0x3] =	sbarrier.arrive $0xFFFF  }
0xa4: {  	_ =	shalt  }

// kernel: kernel.15.cloned.1.call-start
scs
__scs_entry_jumppad:
0x0: {  	(pc) =	sbr.rel $0x88, $3  }
0x1: {  	(tag) =	ssettag $0x0;
	lr =	simm.s32 $0x1  }
0x2: {  	[smem:$0x3F96] =	sst lr;
	_ =	strace $0xD0000000  }
0x3: {  	_ = 	snop  }
0x4: {  	_ = 	snop  }
0x5: {  	_ = 	snop  }
0x6: {  	_ = 	snop  }
0x7: {  	_ = 	snop  }
__scs_overlays_trampoline_lowered:
0x8: {  	[smem:$0x3FA5] =	sst s0  }
0x9: {  	[smem:$0x3FA6] =	sst s1  }
0xa: {  	[smem:$0x3FA7] =	sst s2  }
0xb: {  	[smem:$0x3FA8] =	sst s3  }
0xc: {  	[smem:$0x3FA9] =	sst s4  }
0xd: {  	[smem:$0x3FAA] =	sst s5  }
0xe: {  	[smem:$0x3FAB] =	sst s6  }
0xf: {  	[smem:$0x3FAC] =	sst s7  }
0x10: {  	[smem:$0x3FAD] =	sst s8  }
0x11: {  	[smem:$0x3FAE] =	sst s9;
	s0 =	simm.s32 @!p0 $0x0  }
0x12: {  	s1 =	sld [smem:$0x3F94];
	s0 =	simm.s32 @p0 $0x1  }
0x13: {  	[smem:$0x3FAF] =	sst s0;
	s0 =	simm.s32 @!p1 $0x0  }
0x14: {  	s2 =	sld [smem:$0x3F93];
	s0 =	simm.s32 @p1 $0x1  }
0x15: {  	[smem:$0x3FB0] =	sst s0;
	s0 =	simm.s32 @!p2 $0x0  }
0x16: {  	s3 =	sld [smem:$0x3FDB];
	s0 =	simm.s32 @p2 $0x1  }
0x17: {  	s4 =	simm.s32 $0x1BF5;
	[smem:$0x3FB2] =	sst s0  }
0x18: {  	s0 =	sld [smem:$0x3F95];
	_ =	swait.ge [sflag:s4], $0x0  }
0x19: {  	s7 =	sld [smem:$0x3F96]  }
0x1a: {  	s8 =	sadd.s32 $0xFFFFE003, lr  }
0x1b: {  	s9 =	sadd.s32 $0xFFFFFEF7, lr;
	s5 =	simm.s32 $0xFFFFFFFF;
	p2 =	slt.u32 s8, $0xFFFFF086  }
0x1c: {  	p1 =	slt.u32 s9, $0xF7A;
	s5 =	simm.s32 @!p2 $0x0  }
0x1d: {  	s5 =	simm.s32 @p1 $0x1;
	p0 =	seq.s32 s7, s2  }
0x1e: {  	s7 =	smul.u32 @!p0 $0xF7A, s2;
	p2 =	seq.s32 @!p0 s5, $0x0  }
0x1f: {  	s9 =	smul.u32 $0xF7A, s1;
	s8 =	simm.s32 @!p0 $0x1BF5;
	p2 =	por !p2, p0  }
0x20: {  	[sflag:s8] =	ssyncset.s32 @!p0 $0xFFFFF086;
	s6 =	sadd.s32 @!p0 s3, s7;
	s7 =	simm.s32 @!p0 $0x108  }
0x21: {  	s3 =	sadd.s32 s3, s9;
	s6 =	sadd.s32 @!p0 $0x88, s6;
	s7 =	simm.s32 @p2 $0x1082  }
0x22: {  	[simem:s7], [sflag:s8] =	dma.local @!p0 [hbm:s6], $0xF7A  }
0x23: {  	s9 =	sor.u32 $0xD0000000, s2;
	s6 =	simm.s32 $0x108;
	_ =	swait.ge @!p0 [sflag:s8], $0x0  }
0x24: {  	s3 =	sadd.s32 $0x88, s3;
	s6 =	simm.s32 @!p1 $0x1082;
	[sflag:s4] =	ssyncset.s32 $0xFFFFF086  }
0x25: {  	[simem:s6], [sflag:s4] =	dma.local [hbm:s3], $0xF7A  }
0x26: {  	[smem:$0x3F96] =	sst s1;
	(tag) =	ssettag s2;
	_ =	strace s9  }
0x27: {  	s1 =	sld [smem:$0x3FA6]  }
0x28: {  	s2 =	sld [smem:$0x3FA7]  }
0x29: {  	s4 =	sld [smem:$0x3FA9]  }
0x2a: {  	p0 =	seq.s32 s5, $0x0;
	s5 =	sld [smem:$0x3FAA]  }
0x2b: {  	s6 =	sld [smem:$0x3FAB]  }
0x2c: {  	s7 =	sld [smem:$0x3FAC]  }
0x2d: {  	s3 =	simm.s32 $0x108;
	s8 =	sld [smem:$0x3FAD]  }
0x2e: {  	s3 =	simm.s32 @!p0 $0x1082;
	s9 =	sld [smem:$0x3FAE]  }
0x2f: {  	lr =	sadd.s32 s0, s3;
	s0 =	sld [smem:$0x3FA5]  }
0x30: {  	s3 =	sld [smem:$0x3FA8]  }
0x31: {  	[smem:$0x3FB1] =	sst s10  }
0x32: {  	s10 =	sld [smem:$0x3FAF];
	_ =	sdelay $0x3  }
0x33: {  	p0 =	seq.s32 s10, $0x1;
	s10 =	sld [smem:$0x3FB1];
	_ =	sdelay $0x3  }
0x34: {  	[smem:$0x3FB1] =	sst s10  }
0x35: {  	s10 =	sld [smem:$0x3FB0];
	_ =	sdelay $0x3  }
0x36: {  	p1 =	seq.s32 s10, $0x1;
	s10 =	sld [smem:$0x3FB1];
	_ =	sdelay $0x3  }
0x37: {  	[smem:$0x3FB1] =	sst s10  }
0x38: {  	s10 =	sld [smem:$0x3FB2]  }
0x39: {  	_ = 	snop;
	(pc) =	sbr.ind lr, $3  }
0x3a: {  	_ = 	snop  }
0x3b: {  	_ = 	snop  }
0x3c: {  	p2 =	seq.s32 s10, $0x1;
	s10 =	sld [smem:$0x3FB1]  }
0x3d: {  	_ =	shalt  }
0x3e: {  	_ =	shalt  }
0x3f: {  	_ =	shalt  }
0x40: {  	_ =	shalt  }
0x41: {  	_ =	shalt  }
0x42: {  	_ =	shalt  }
0x43: {  	_ =	shalt  }
0x44: {  	_ =	shalt  }
0x45: {  	_ =	shalt  }
0x46: {  	_ =	shalt  }
0x47: {  	_ =	shalt  }
0x48: {  	_ =	shalt  }
0x49: {  	_ =	shalt  }
0x4a: {  	_ =	shalt  }
0x4b: {  	_ =	shalt  }
0x4c: {  	_ =	shalt  }
0x4d: {  	_ =	shalt  }
0x4e: {  	_ =	shalt  }
0x4f: {  	_ =	shalt  }
0x50: {  	_ =	shalt  }
0x51: {  	_ =	shalt  }
0x52: {  	_ =	shalt  }
0x53: {  	_ =	shalt  }
0x54: {  	_ =	shalt  }
0x55: {  	_ =	shalt  }
0x56: {  	_ =	shalt  }
0x57: {  	_ =	shalt  }
0x58: {  	_ =	shalt  }
0x59: {  	_ =	shalt  }
0x5a: {  	_ =	shalt  }
0x5b: {  	_ =	shalt  }
0x5c: {  	_ =	shalt  }
0x5d: {  	_ =	shalt  }
0x5e: {  	_ =	shalt  }
0x5f: {  	_ =	shalt  }
0x60: {  	_ =	shalt  }
0x61: {  	_ =	shalt  }
0x62: {  	_ =	shalt  }
0x63: {  	_ =	shalt  }
0x64: {  	_ =	shalt  }
0x65: {  	_ =	shalt  }
0x66: {  	_ =	shalt  }
0x67: {  	_ =	shalt  }
0x68: {  	_ =	shalt  }
0x69: {  	_ =	shalt  }
0x6a: {  	_ =	shalt  }
0x6b: {  	_ =	shalt  }
0x6c: {  	_ =	shalt  }
0x6d: {  	_ =	shalt  }
0x6e: {  	_ =	shalt  }
0x6f: {  	_ =	shalt  }
0x70: {  	_ =	shalt  }
0x71: {  	_ =	shalt  }
0x72: {  	_ =	shalt  }
0x73: {  	_ =	shalt  }
0x74: {  	_ =	shalt  }
0x75: {  	_ =	shalt  }
0x76: {  	_ =	shalt  }
0x77: {  	_ =	shalt  }
0x78: {  	_ =	shalt  }
0x79: {  	_ =	shalt  }
0x7a: {  	_ =	shalt  }
0x7b: {  	_ =	shalt  }
0x7c: {  	_ =	shalt  }
0x7d: {  	_ =	shalt  }
0x7e: {  	_ =	shalt  }
0x7f: {  	_ =	shalt  }
0x80: {  	_ =	shalt  }
0x81: {  	_ =	shalt  }
0x82: {  	_ =	shalt  }
0x83: {  	_ =	shalt  }
0x84: {  	_ =	shalt  }
0x85: {  	_ =	shalt  }
0x86: {  	_ =	shalt  }
0x87: {  	_ =	shalt  }
.Lfunc_end0:
.L_simem_size_0:
called_computation.2_lowered:
.L_overlay_start_0:
0x88: {  	s2 =	sld [smem:$0x3FD9]  }
0x89: {  	s3 =	sld [smem:$0x3FFE];
	_ =	sdelay $0x1  }
0x8a: {  	s1 =	srdreg.scid  }
0x8b: {  	s0 =	sand.u32 $0x1, s1  }
0x8c: {  	s14 =	sshll.u32 s0, $0xA;
	s2 =	sadd.s32 s3, s2  }
0x8d: {  	s2 =	sadd.s32 s2, s14  }
0x8e: {  	[smem:$0x3FBD] =	sst s2  }
0x8f: {  	_ = 	snop  }
0x90: {  	s2 =	sld [smem:$0x3FD0];
	_ =	sdelay $0x2  }
0x91: {  	s15 =	simm.s32 $0xA;
	s4 =	simm.s32 $0x10  }
0x92: {  	[smem:s4], [sflag:s15] =	dma.local [hbm:s2], $0x1  }
0x93: {  	_ =	swait.eq [sflag:s15], $0x1  }
0x94: {  	[sflag:s15] =	ssyncset.done $0x0  }
0x95: {  	s16 =	sld [smem:$0x10];
	[sflag:s15] =	ssyncadd.s32 $0xFFFFFFFF  }
0x96: {  	s17 =	sld [smem:$0x11];
	(tm) =	ssettm $0x1  }
0x97: {  	s18 =	sld [smem:$0x3FFB];
	_ =	sdelay $0x3  }
0x98: {  	_ =	strace s18  }
0x99: {  	s4 =	sld [smem:$0x3FFC];
	_ =	sdelay $0x3  }
0x9a: {  	_ =	strace s4  }
0x9b: {  	s4 =	sld [smem:$0x3FFD];
	_ =	sdelay $0x3  }
0x9c: {  	_ =	strace s4  }
0x9d: {  	_ =	strace $0x8FFFFFFF  }
0x9e: {  	s19 =	sld [smem:$0x3FDB];
	_ =	sdelay $0x1  }
0x9f: {  	s5 =	simm.s32 $_scs_section_size  }
0xa0: {  	s6 =	simm.s32 $_size__tile_overlayer_lowered;
	s7 =	simm.s32 $_tile_overlayer_lowered  }
0xa1: {  	s22 =	simm.s32 $0x1BFF;
	s21 =	sshll.u32 s7, $0x1;
	s4 =	sadd.s32 s5, s19  }
0xa2: {  	s8 =	simm.s32 $0x0;
	s20 =	sshll.u32 s6, $0x1;
	s6 =	sadd.s32 s21, s4  }
0xa3: {  	[timem:s8], [sflag:s22] =	dma.local [hbm:s6], s20  }
0xa4: {  	_ =	swait.ge [sflag:s22], s20  }
0xa5: {  	s5 =	ssub.s32 $0x0, s20;
	[sflag:s22] =	ssyncset.done $0x0  }
0xa6: {  	[sflag:s22] =	ssyncadd.s32 s5;
	_ =	sdelay $0x1  }
0xa7: {  	s23 =	simm.s32 $0x1B8B  }
0xa8: {  	_ =	swait.ge [sflag:s23], $0x1  }
0xa9: {  	[sflag:s23] =	ssyncset.done $0x0  }
0xaa: {  	s25 =	simm.s32 $0x1B8E;
	s24 =	sld [smem:$0x3FFE];
	[sflag:s23] =	ssyncadd.s32 $0xFFFFFFFF  }
0xab: {  	s26 =	simm.s32 $execute0_lowered;
	[smem:$0x3FD2] =	sst s25  }
0xac: {  	s6 =	sshll.u32 s26, $0x1;
	_ =	strace $0x8000004C;
	[dreg:$0x1] =	wrdreg $0xFFFFFFFF  }
0xad: {  	s28 =	simm.s32 $_size_execute0_lowered;
	s4 =	sadd.s32 s4, s6;
	[dreg:$0x0] =	wrdreg $0x0  }
0xae: {  	s6 =	sshll.u32 s28, $0x1;
	[dreg:$0x2] =	wrdreg s4  }
0xaf: {  	[dreg:$0x3] =	wrdreg s6  }
0xb0: {  	[dreg:$0x4] =	wrdreg $0xC0  }
0xb1: {  	_ =	task [dreg:s8], $0x5FFFF  }
0xb2: {  	[dreg:$0x1] =	wrdreg $0xFFFFFFFF  }
0xb3: {  	[dreg:$0x0] =	wrdreg $0x60  }
0xb4: {  	[dreg:$0x2] =	wrdreg s16  }
0xb5: {  	[dreg:$0x3] =	wrdreg s24  }
0xb6: {  	[dreg:$0x4] =	wrdreg s17  }
0xb7: {  	[dreg:$0x5] =	wrdreg $0x9F000  }
0xb8: {  	[dreg:$0x6] =	wrdreg $0x9  }
0xb9: {  	_ =	task.clear_ibuf [dreg:s8], $0x7FFFF;
	_ =	strace $0x9000004C  }
0xba: {  	s29 =	simm.s32 $0x9;
	_ =	strace $0x8000004E  }
0xbb: {  	_ =	swait.ge [sflag:s29], $0x1  }
0xbc: {  	[sflag:s29] =	ssyncadd.s32 $0xFFFFFFFF  }
0xbd: {  	_ =	strace $0x9000004E  }
0xbe: {  	_ =	sfence  }
0xbf: {  	s30 =	sld [smem:$0x0];
	_ =	sdelay $0x2  }
0xc0: {  	s31 =	sshll.u32 s1, $0xD;
	s1 =	sshrl.u32 s1, $0x2  }
0xc1: {  	s3 =	sand.u32 $0x4000, s31;
	s1 =	sadd.s32 s1, s30  }
0xc2: {  	s0 =	sor.u32 s3, s0;
	s1 =	sshll.u32 s1, $0x11  }
0xc3: {  	s0 =	sor.u32 s1, s0  }
0xc4: {  	s0 =	sadd.s32 $0x8F2B, s0  }
0xc5: {  	[sflag:s0] =	ssyncadd.remote.s32 $0x1  }
0xc6: {  	_ =	sfence.sel $0xFFFF  }
0xc7: {  	[dreg:$0x0] =	wrdreg $0xFFFFFFFF;
	(pc) =	sbr.abs _section_cstart, $3  }
0xc8: {  	[dreg:$0x1] =	wrdreg $0xFFFFFFFF  }
0xc9: {  	_ =	task.clear_ibuf [dreg:s8], $0x2FFFF;
	_ =	strace $0x9FFFFFFF  }
0xca: {  	(tm) =	ssettm $0x7FFFFFFF  }
0xcb: {  	_ =	shalt  }
tec
execute0_lowered:
.L_overlay_start_1:
0x0: {  	(tag) =	ssettag $0x1  }
0x1: {  	s1 =	rddreg [dreg:$0x0]  }
0x2: {  	s5 =	rddreg [dreg:$0x1]  }
0x3: {  	s6 =	rddreg [dreg:$0x2]  }
0x4: {  	s2 =	rddreg [dreg:$0x3]  }
0x5: {  	s3 =	srdreg.scid;
	s0 =	rddreg [dreg:$0x4]  }
0x6: {  	s4 =	simm.s32 $0x0;
	s17 =	simm.s32 $0x2780;
	s18 =	simm.s32 $0x4F00  }
0x7: {  	s19 =	simm.s32 $0x1;
	s20 =	simm.s32 $0x2;
	s21 =	simm.s32 $0x50  }
0x8: {  	s22 =	simm.s32 $0x7700;
	s23 =	simm.s32 $0x3;
	s7 =	sand.u32 $0x1, s3  }
0x9: {  	s24 =	simm.s32 $0x4E40;
	s3 =	stileid.u32;
	s8 =	smul.u32 $0x140000, s7  }
0xa: {  	[smem:$0x7FF] =	sst s4;
	s9 =	sshll.u32 s3, $0x1;
	s10 =	smul.u32 $0x14000, s3  }
0xb: {  	_ =	strace $0x8000004D;
	s11 =	smul.u32 $0x50000, s3;
	s9 =	sor.u32 s7, s9  }
0xc: {  	s7 =	ssub.s32 $0x2, s7;
	s9 =	smul.u32 $0x4E2, s9;
	s8 =	sadd.s32 s10, s8  }
0xd: {  	s30 =	sshrl.u32 s7, $0x1;
	s31 =	sshrl.u32 s11, $0x2;
	s8 =	sshrl.u32 s8, $0x3  }
0xe: {  	s10 =	ssub.s32 s7, s30;
	s12 =	sadd.s32 s9, s5;
	s8 =	sadd.s32 s8, s5  }
0xf: {  	s6 =	sadd.s32 s6, s9;
	s7 =	sadd.s32 $0xD800, s8;
	s8 =	sadd.s32 s31, s2  }
0x10: {  	s9 =	smax.u32 s10, $0x1;
	s5 =	sadd.s32 $0x3A00, s12;
	s10 =	sadd.s32 $0x2800, s8  }
0x11: {  	s11 =	sadd.s32 $0x5000, s8;
	s12 =	sadd.s32 $0x7800, s8;
	s13 =	sadd.s32 $0xA000, s8  }
0x12: {  	v0 =	vimm.f32 $0.0e+00;
	s14 =	sadd.s32 $0xC800, s8;
	s15 =	sadd.s32 $0xF000, s8;
	s16 =	sadd.s32 $0x11800, s8  }
.LBB2_1:
0x13: {  	s25 =	simm.s32 $0x70;
	s26 =	simm.s32 $0x3C0  }
.LBB2_2:
0x14: {  	p0 =	sne.s32 s26, $0x9FC0;
	[tilespmem:s25+$0x4F00] =	vst v0  }
0x15: {  	[tilespmem:s25+$0x4E90] =	vst v0  }
0x16: {  	[tilespmem:s25+$0x4EA0] =	vst v0  }
.Ltmp0:
0x17: {  	[tilespmem:s25+$0x4EB0] =	vst v0;
	(pc) =	sbr.rel @p0 .LBB2_2-.Ltmp0, $4  }
0x18: {  	[tilespmem:s25+$0x4EC0] =	vst v0  }
0x19: {  	[tilespmem:s25+$0x4ED0] =	vst v0  }
0x1a: {  	[tilespmem:s25+$0x4EE0] =	vst v0  }
0x1b: {  	[tilespmem:s25+$0x4EF0] =	vst v0;
	s25 =	sshra.s32 s26, $0x2;
	s26 =	sadd.s32 $0x200, s26  }
0x1c: {  	[tilespmem:s25+$0x4F00] =	vst v0  }
0x1d: {  	[tilespmem:s25+$0x4E90] =	vst v0  }
0x1e: {  	[tilespmem:s25+$0x4EA0] =	vst v0  }
0x1f: {  	[tilespmem:s25+$0x4EB0] =	vst v0  }
0x20: {  	[tilespmem:s25+$0x4EC0] =	vst v0  }
0x21: {  	[tilespmem:s25+$0x4ED0] =	vst v0  }
0x22: {  	[tilespmem:s25+$0x4EE0] =	vst v0  }
0x23: {  	[tilespmem:s25+$0x4EF0] =	vst v0;
	s26 =	simm.s32 $0x0  }
0x24: {  	[tilespmem:s26], [sflag:$0x2] =	stream.linear.gather [hbm4b:s5+s26], $0x2710, $0x38;
	[tilespmem:$0x1DF00] =	vst v63  }
0x25: {  	_ = 	snop  }
0x26: {  	[tilespmem:s17], [sflag:$0x2] =	stream.linear.gather [hbm4b:s6+s26], $0x2710, $0x38;
	[tilespmem:$0x1DF00] =	vst v63  }
0x27: {  	_ = 	snop  }
0x28: {  	[spmem:s8] =	stream.linear.scatter [tilespmem:s18], [sflag:$0x1], $0x2800, $0x38;
	[tilespmem:$0x1DF00] =	vst v63  }
0x29: {  	_ = 	snop  }
0x2a: {  	[spmem:s10] =	stream.linear.scatter [tilespmem:s18], [sflag:$0x1], $0x2800, $0x38;
	[tilespmem:$0x1DF00] =	vst v63  }
0x2b: {  	_ = 	snop  }
0x2c: {  	[spmem:s11] =	stream.linear.scatter [tilespmem:s18], [sflag:$0x1], $0x2800, $0x38;
	[tilespmem:$0x1DF00] =	vst v63  }
0x2d: {  	_ = 	snop  }
0x2e: {  	[spmem:s12] =	stream.linear.scatter [tilespmem:s18], [sflag:$0x1], $0x2800, $0x38;
	[tilespmem:$0x1DF00] =	vst v63  }
0x2f: {  	_ = 	snop  }
0x30: {  	[spmem:s13] =	stream.linear.scatter [tilespmem:s18], [sflag:$0x1], $0x2800, $0x38;
	[tilespmem:$0x1DF00] =	vst v63  }
0x31: {  	_ = 	snop  }
0x32: {  	[spmem:s14] =	stream.linear.scatter [tilespmem:s18], [sflag:$0x1], $0x2800, $0x38;
	[tilespmem:$0x1DF00] =	vst v63  }
0x33: {  	_ = 	snop  }
0x34: {  	[spmem:s15] =	stream.linear.scatter [tilespmem:s18], [sflag:$0x1], $0x2800, $0x38;
	[tilespmem:$0x1DF00] =	vst v63  }
0x35: {  	_ = 	snop  }
0x36: {  	[spmem:s16] =	stream.linear.scatter [tilespmem:s18], [sflag:$0x1], $0x2800, $0x38;
	[tilespmem:$0x1DF00] =	vst v63  }
0x37: {  	_ =	swait.ge [sflag:s19], $0x2800  }
0x38: {  	[sflag:s19] =	ssyncset.done $0x0  }
0x39: {  	[sflag:s19] =	ssyncadd.s32 $0xFFFFD800  }
0x3a: {  	_ =	swait.ge [sflag:s19], $0x2800  }
0x3b: {  	[sflag:s19] =	ssyncset.done $0x0  }
0x3c: {  	[sflag:s19] =	ssyncadd.s32 $0xFFFFD800  }
0x3d: {  	_ =	swait.ge [sflag:s19], $0x2800  }
0x3e: {  	[sflag:s19] =	ssyncset.done $0x0  }
0x3f: {  	[sflag:s19] =	ssyncadd.s32 $0xFFFFD800  }
0x40: {  	_ =	swait.ge [sflag:s19], $0x2800  }
0x41: {  	[sflag:s19] =	ssyncset.done $0x0  }
0x42: {  	[sflag:s19] =	ssyncadd.s32 $0xFFFFD800  }
0x43: {  	_ =	swait.ge [sflag:s19], $0x2800  }
0x44: {  	[sflag:s19] =	ssyncset.done $0x0  }
0x45: {  	[sflag:s19] =	ssyncadd.s32 $0xFFFFD800  }
0x46: {  	_ =	swait.ge [sflag:s19], $0x2800  }
0x47: {  	[sflag:s19] =	ssyncset.done $0x0  }
0x48: {  	[sflag:s19] =	ssyncadd.s32 $0xFFFFD800  }
0x49: {  	_ =	swait.ge [sflag:s19], $0x2800  }
0x4a: {  	[sflag:s19] =	ssyncset.done $0x0  }
0x4b: {  	[sflag:s19] =	ssyncadd.s32 $0xFFFFD800  }
0x4c: {  	_ =	swait.ge [sflag:s19], $0x2800  }
0x4d: {  	[sflag:s19] =	ssyncset.done $0x0  }
0x4e: {  	[sflag:s19] =	ssyncadd.s32 $0xFFFFD800  }
0x4f: {  	_ =	swait.ge [sflag:s20], $0x2710  }
0x50: {  	[sflag:s20] =	ssyncset.done $0x0  }
0x51: {  	[sflag:s20] =	ssyncadd.s32 $0xFFFFD8F0  }
0x52: {  	_ =	swait.ge [sflag:s20], $0x2710  }
0x53: {  	[sflag:s20] =	ssyncset.done $0x0  }
0x54: {  	[sflag:s20] =	ssyncadd.s32 $0xFFFFD8F0  }
0x55: {  	[bflag:$0x0] =	sbarrier.arrive $0xFFFF  }
0x56: {  	[tilespmem:s18], [sflag:$0x1] =	stream.indirect.gather [hbm4b:s1+s21], $0x80, s26, s21, $0xb8;
	[tilespmem:$0x1DF00] =	vst v63  }
0x57: {  	s28 =	simm.s32 $0x50  }
0x58: {  	[tilespmem:s22], [sflag:$0x2] =	stream.indirect.gather [hbm4b:s1+s21], $0x80, s28, s21, $0xb8;
	[tilespmem:$0x1DF00] =	vst v63  }
0x59: {  	_ =	swait.ge [sflag:s19], $0x2800  }
0x5a: {  	[sflag:s19] =	ssyncset.done $0x0  }
0x5b: {  	s29 =	simm.s32 $0x2780;
	[sflag:s19] =	ssyncadd.s32 $0xFFFFD800  }
0x5c: {  	[spmem:s2] =	stream.indirect.scatter.add.f32 [tilespmem:s18], [sflag:$0x3], $0x80, s29, s21, $0xb8;
	[tilespmem:$0x1DF00] =	vst v63  }
0x5d: {  	_ =	swait.ge [sflag:s23], $0x2800  }
0x5e: {  	[sflag:s23] =	ssyncset.done $0x0  }
0x5f: {  	s30 =	simm.s32 $0xA0;
	[sflag:s23] =	ssyncadd.s32 $0xFFFFD800  }
0x60: {  	[tilespmem:s18], [sflag:$0x1] =	stream.indirect.gather [hbm4b:s1+s21], $0x80, s30, s21, $0xb8;
	[tilespmem:$0x1DF00] =	vst v63  }
0x61: {  	_ =	swait.ge [sflag:s20], $0x2800  }
0x62: {  	[sflag:s20] =	ssyncset.done $0x0  }
0x63: {  	s31 =	simm.s32 $0x27D0;
	[sflag:s20] =	ssyncadd.s32 $0xFFFFD800  }
0x64: {  	[spmem:s2] =	stream.indirect.scatter.add.f32 [tilespmem:s22], [sflag:$0x3], $0x80, s31, s21, $0xb8;
	[tilespmem:$0x1DF00] =	vst v63  }
0x65: {  	_ =	swait.ge [sflag:s23], $0x2800  }
0x66: {  	s25 =	simm.s32 $0xA0;
	s26 =	simm.s32 $0x500;
	[sflag:s23] =	ssyncset.done $0x0  }
.LBB2_4:
0x67: {  	s28 =	sadd.s32 $0x50, s25  }
0x68: {  	[sflag:s23] =	ssyncadd.s32 $0xFFFFD800;
	s29 =	smov.u32 s26;
	s30 =	sadd.s32 $0x280, s26  }
0x69: {  	[tilespmem:s22], [sflag:$0x2] =	stream.indirect.gather [hbm4b:s1+s21], $0x80, s28, s21, $0xb8;
	[tilespmem:$0x1DF00] =	vst v63  }
0x6a: {  	p0 =	sne.s32 s26, $0x9880;
	_ =	swait.ge [sflag:s19], $0x2800  }
0x6b: {  	[sflag:s19] =	ssyncset.done $0x0  }
0x6c: {  	s26 =	sadd.s32 $0x2780, s25;
	[sflag:s19] =	ssyncadd.s32 $0xFFFFD800  }
0x6d: {  	[spmem:s2] =	stream.indirect.scatter.add.f32 [tilespmem:s18], [sflag:$0x3], $0x80, s26, s21, $0xb8;
	[tilespmem:$0x1DF00] =	vst v63  }
0x6e: {  	_ =	swait.ge [sflag:s23], $0x2800  }
0x6f: {  	[sflag:s23] =	ssyncset.done $0x0  }
0x70: {  	s26 =	sadd.s32 $0xA0, s25;
	[sflag:s23] =	ssyncadd.s32 $0xFFFFD800  }
0x71: {  	[tilespmem:s18], [sflag:$0x1] =	stream.indirect.gather [hbm4b:s1+s21], $0x80, s26, s21, $0xb8;
	[tilespmem:$0x1DF00] =	vst v63  }
0x72: {  	_ =	swait.ge [sflag:s20], $0x2800  }
.Ltmp1:
0x73: {  	[sflag:s20] =	ssyncset.done $0x0;
	(pc) =	sbr.rel @p0 .LBB2_4-.Ltmp1, $4  }
0x74: {  	s25 =	sadd.s32 $0x27D0, s25;
	[sflag:s20] =	ssyncadd.s32 $0xFFFFD800  }
0x75: {  	[spmem:s2] =	stream.indirect.scatter.add.f32 [tilespmem:s22], [sflag:$0x3], $0x80, s25, s21, $0xb8;
	[tilespmem:$0x1DF00] =	vst v63  }
0x76: {  	_ =	swait.ge [sflag:s23], $0x2800  }
0x77: {  	s26 =	smov.u32 s30;
	s25 =	sshra.s32 s29, $0x2;
	[sflag:s23] =	ssyncset.done $0x0  }
0x78: {  	s26 =	sadd.s32 $0x50, s25;
	[sflag:s23] =	ssyncadd.s32 $0xFFFFD800  }
0x79: {  	[tilespmem:s22], [sflag:$0x2] =	stream.indirect.gather [hbm4b:s1+s21], $0x80, s26, s21, $0xb8;
	[tilespmem:$0x1DF00] =	vst v63  }
0x7a: {  	_ =	swait.ge [sflag:s19], $0x2800  }
0x7b: {  	[sflag:s19] =	ssyncset.done $0x0  }
0x7c: {  	s31 =	sadd.s32 $0x2780, s25;
	[sflag:s19] =	ssyncadd.s32 $0xFFFFD800  }
0x7d: {  	[spmem:s2] =	stream.indirect.scatter.add.f32 [tilespmem:s18], [sflag:$0x3], $0x80, s31, s21, $0xb8;
	[tilespmem:$0x1DF00] =	vst v63  }
0x7e: {  	_ =	swait.ge [sflag:s23], $0x2800  }
0x7f: {  	[sflag:s23] =	ssyncset.done $0x0  }
0x80: {  	s28 =	sadd.s32 $0xA0, s25;
	[sflag:s23] =	ssyncadd.s32 $0xFFFFD800  }
0x81: {  	[tilespmem:s18], [sflag:$0x1] =	stream.indirect.gather [hbm4b:s1+s21], $0x80, s28, s21, $0xb8;
	[tilespmem:$0x1DF00] =	vst v63  }
0x82: {  	_ =	swait.ge [sflag:s20], $0x2800  }
0x83: {  	[sflag:s20] =	ssyncset.done $0x0  }
0x84: {  	s29 =	sadd.s32 $0x27D0, s25;
	[sflag:s20] =	ssyncadd.s32 $0xFFFFD800  }
0x85: {  	[spmem:s2] =	stream.indirect.scatter.add.f32 [tilespmem:s22], [sflag:$0x3], $0x80, s29, s21, $0xb8;
	[tilespmem:$0x1DF00] =	vst v63  }
0x86: {  	_ =	swait.ge [sflag:s23], $0x2800  }
0x87: {  	[sflag:s23] =	ssyncset.done $0x0  }
0x88: {  	[sflag:s23] =	ssyncadd.s32 $0xFFFFD800  }
0x89: {  	_ =	swait.ge [sflag:s19], $0x2800  }
0x8a: {  	[sflag:s19] =	ssyncset.done $0x0  }
0x8b: {  	[sflag:s19] =	ssyncadd.s32 $0xFFFFD800  }
0x8c: {  	[spmem:s2] =	stream.indirect.scatter.add.f32 [tilespmem:s18], [sflag:$0x3], $0x80, s24, s21, $0xb8;
	[tilespmem:$0x1DF00] =	vst v63  }
0x8d: {  	_ =	swait.ge [sflag:s23], $0x2800  }
0x8e: {  	s30 =	sshll.u32 s3, $0x6;
	s4 =	sadd.s32 $0x1, s4;
	[sflag:s23] =	ssyncset.done $0x0  }
0x8f: {  	s25 =	sor.u32 $0x1C03, s30;
	p0 =	sne.s32 s4, s9;
	[sflag:s23] =	ssyncadd.s32 $0xFFFFD800  }
.Ltmp2:
0x90: {  	s31 =	sshrl.u32 s8, $0x3;
	[bflag:$0x0] =	sbarrier.arrive $0xFFFF;
	(pc) =	sbr.rel @p0 .LBB2_1-.Ltmp2, $4  }
0x91: {  	[hbm:s7], [sflag:s25] =	dma.local [spmem:s31], $0x2800  }
0x92: {  	_ =	swait.ge [sflag:s23], $0x2800  }
0x93: {  	[sflag:s23] =	ssyncset.done $0x0  }
0x94: {  	[sflag:s23] =	ssyncadd.s32 $0xFFFFD800  }
0x95: {  	_ =	sfence.sel $0x180000  }
0x96: {  	[bflag:$0x0] =	sbarrier.arrive $0xFFFF  }
0x97: {  	p0 =	sne.s32 s3, $0x0;
	_ =	strace $0x9000004D  }
0x98: {  	s0 =	sadd.s32 @!p0 $0x100000, s0;
	[bflag:$0x2] =	sbarrier.arrive $0xFFFF  }
0x99: {  	[sflag:s0] =	ssyncadd.tile.s32 @!p0 $0x1;
	_ =	shalt  }
.Lfunc_end2:
_tile_overlayer_lowered:
.L_overlay_start_2:
0x9a: {  	(tag) =	ssettag $0x2  }
0x9b: {  	s0 =	rddreg [dreg:$0x0];
	s2 =	stileid.u32  }
0x9c: {  	s1 =	rddreg [dreg:$0x1];
	p0 =	sne.s32 s2, $0x0  }
0x9d: {  	s3 =	rddreg [dreg:$0x2];
	[bflag:$0x3] =	sbarrier.arrive $0xFFFF;
	s2 =	simm.s32 @!p0 $0x1C03  }
0x9e: {  	[timem:s3], [sflag:s2] =	dma.local @!p0 [hbm:s0], s1  }
0x9f: {  	s0 =	simm.s32 @!p0 $0x3  }
0xa0: {  	_ =	swait.ge @!p0 [sflag:s0], s1  }
0xa1: {  	s1 =	ssub.s32 @!p0 $0x0, s1;
	[sflag:s0] =	ssyncset.done @!p0 $0x0  }
0xa2: {  	[sflag:s0] =	ssyncadd.s32 @!p0 s1  }
0xa3: {  	[bflag:$0x3] =	sbarrier.arrive $0xFFFF  }
0xa4: {  	_ =	shalt  }

// kernel: kernel.9.cloned.1.call-start
scs
__scs_entry_jumppad:
0x0: {  	(pc) =	sbr.rel $0x88, $3  }
0x1: {  	(tag) =	ssettag $0x0;
	lr =	simm.s32 $0x1  }
0x2: {  	[smem:$0x3F96] =	sst lr;
	_ =	strace $0xD0000000  }
0x3: {  	_ = 	snop  }
0x4: {  	_ = 	snop  }
0x5: {  	_ = 	snop  }
0x6: {  	_ = 	snop  }
0x7: {  	_ = 	snop  }
__scs_overlays_trampoline_lowered:
0x8: {  	[smem:$0x3FA5] =	sst s0  }
0x9: {  	[smem:$0x3FA6] =	sst s1  }
0xa: {  	[smem:$0x3FA7] =	sst s2  }
0xb: {  	[smem:$0x3FA8] =	sst s3  }
0xc: {  	[smem:$0x3FA9] =	sst s4  }
0xd: {  	[smem:$0x3FAA] =	sst s5  }
0xe: {  	[smem:$0x3FAB] =	sst s6  }
0xf: {  	[smem:$0x3FAC] =	sst s7  }
0x10: {  	[smem:$0x3FAD] =	sst s8  }
0x11: {  	[smem:$0x3FAE] =	sst s9;
	s0 =	simm.s32 @!p0 $0x0  }
0x12: {  	s1 =	sld [smem:$0x3F94];
	s0 =	simm.s32 @p0 $0x1  }
0x13: {  	[smem:$0x3FAF] =	sst s0;
	s0 =	simm.s32 @!p1 $0x0  }
0x14: {  	s2 =	sld [smem:$0x3F93];
	s0 =	simm.s32 @p1 $0x1  }
0x15: {  	[smem:$0x3FB0] =	sst s0;
	s0 =	simm.s32 @!p2 $0x0  }
0x16: {  	s3 =	sld [smem:$0x3FDB];
	s0 =	simm.s32 @p2 $0x1  }
0x17: {  	s4 =	simm.s32 $0x1BF5;
	[smem:$0x3FB2] =	sst s0  }
0x18: {  	s0 =	sld [smem:$0x3F95];
	_ =	swait.ge [sflag:s4], $0x0  }
0x19: {  	s7 =	sld [smem:$0x3F96]  }
0x1a: {  	s8 =	sadd.s32 $0xFFFFE003, lr  }
0x1b: {  	s9 =	sadd.s32 $0xFFFFFEF7, lr;
	s5 =	simm.s32 $0xFFFFFFFF;
	p2 =	slt.u32 s8, $0xFFFFF086  }
0x1c: {  	p1 =	slt.u32 s9, $0xF7A;
	s5 =	simm.s32 @!p2 $0x0  }
0x1d: {  	s5 =	simm.s32 @p1 $0x1;
	p0 =	seq.s32 s7, s2  }
0x1e: {  	s7 =	smul.u32 @!p0 $0xF7A, s2;
	p2 =	seq.s32 @!p0 s5, $0x0  }
0x1f: {  	s9 =	smul.u32 $0xF7A, s1;
	s8 =	simm.s32 @!p0 $0x1BF5;
	p2 =	por !p2, p0  }
0x20: {  	[sflag:s8] =	ssyncset.s32 @!p0 $0xFFFFF086;
	s6 =	sadd.s32 @!p0 s3, s7;
	s7 =	simm.s32 @!p0 $0x108  }
0x21: {  	s3 =	sadd.s32 s3, s9;
	s6 =	sadd.s32 @!p0 $0x88, s6;
	s7 =	simm.s32 @p2 $0x1082  }
0x22: {  	[simem:s7], [sflag:s8] =	dma.local @!p0 [hbm:s6], $0xF7A  }
0x23: {  	s9 =	sor.u32 $0xD0000000, s2;
	s6 =	simm.s32 $0x108;
	_ =	swait.ge @!p0 [sflag:s8], $0x0  }
0x24: {  	s3 =	sadd.s32 $0x88, s3;
	s6 =	simm.s32 @!p1 $0x1082;
	[sflag:s4] =	ssyncset.s32 $0xFFFFF086  }
0x25: {  	[simem:s6], [sflag:s4] =	dma.local [hbm:s3], $0xF7A  }
0x26: {  	[smem:$0x3F96] =	sst s1;
	(tag) =	ssettag s2;
	_ =	strace s9  }
0x27: {  	s1 =	sld [smem:$0x3FA6]  }
0x28: {  	s2 =	sld [smem:$0x3FA7]  }
0x29: {  	s4 =	sld [smem:$0x3FA9]  }
0x2a: {  	p0 =	seq.s32 s5, $0x0;
	s5 =	sld [smem:$0x3FAA]  }
0x2b: {  	s6 =	sld [smem:$0x3FAB]  }
0x2c: {  	s7 =	sld [smem:$0x3FAC]  }
0x2d: {  	s3 =	simm.s32 $0x108;
	s8 =	sld [smem:$0x3FAD]  }
0x2e: {  	s3 =	simm.s32 @!p0 $0x1082;
	s9 =	sld [smem:$0x3FAE]  }
0x2f: {  	lr =	sadd.s32 s0, s3;
	s0 =	sld [smem:$0x3FA5]  }
0x30: {  	s3 =	sld [smem:$0x3FA8]  }
0x31: {  	[smem:$0x3FB1] =	sst s10  }
0x32: {  	s10 =	sld [smem:$0x3FAF];
	_ =	sdelay $0x3  }
0x33: {  	p0 =	seq.s32 s10, $0x1;
	s10 =	sld [smem:$0x3FB1];
	_ =	sdelay $0x3  }
0x34: {  	[smem:$0x3FB1] =	sst s10  }
0x35: {  	s10 =	sld [smem:$0x3FB0];
	_ =	sdelay $0x3  }
0x36: {  	p1 =	seq.s32 s10, $0x1;
	s10 =	sld [smem:$0x3FB1];
	_ =	sdelay $0x3  }
0x37: {  	[smem:$0x3FB1] =	sst s10  }
0x38: {  	s10 =	sld [smem:$0x3FB2]  }
0x39: {  	_ = 	snop;
	(pc) =	sbr.ind lr, $3  }
0x3a: {  	_ = 	snop  }
0x3b: {  	_ = 	snop  }
0x3c: {  	p2 =	seq.s32 s10, $0x1;
	s10 =	sld [smem:$0x3FB1]  }
0x3d: {  	_ =	shalt  }
0x3e: {  	_ =	shalt  }
0x3f: {  	_ =	shalt  }
0x40: {  	_ =	shalt  }
0x41: {  	_ =	shalt  }
0x42: {  	_ =	shalt  }
0x43: {  	_ =	shalt  }
0x44: {  	_ =	shalt  }
0x45: {  	_ =	shalt  }
0x46: {  	_ =	shalt  }
0x47: {  	_ =	shalt  }
0x48: {  	_ =	shalt  }
0x49: {  	_ =	shalt  }
0x4a: {  	_ =	shalt  }
0x4b: {  	_ =	shalt  }
0x4c: {  	_ =	shalt  }
0x4d: {  	_ =	shalt  }
0x4e: {  	_ =	shalt  }
0x4f: {  	_ =	shalt  }
0x50: {  	_ =	shalt  }
0x51: {  	_ =	shalt  }
0x52: {  	_ =	shalt  }
0x53: {  	_ =	shalt  }
0x54: {  	_ =	shalt  }
0x55: {  	_ =	shalt  }
0x56: {  	_ =	shalt  }
0x57: {  	_ =	shalt  }
0x58: {  	_ =	shalt  }
0x59: {  	_ =	shalt  }
0x5a: {  	_ =	shalt  }
0x5b: {  	_ =	shalt  }
0x5c: {  	_ =	shalt  }
0x5d: {  	_ =	shalt  }
0x5e: {  	_ =	shalt  }
0x5f: {  	_ =	shalt  }
0x60: {  	_ =	shalt  }
0x61: {  	_ =	shalt  }
0x62: {  	_ =	shalt  }
0x63: {  	_ =	shalt  }
0x64: {  	_ =	shalt  }
0x65: {  	_ =	shalt  }
0x66: {  	_ =	shalt  }
0x67: {  	_ =	shalt  }
0x68: {  	_ =	shalt  }
0x69: {  	_ =	shalt  }
0x6a: {  	_ =	shalt  }
0x6b: {  	_ =	shalt  }
0x6c: {  	_ =	shalt  }
0x6d: {  	_ =	shalt  }
0x6e: {  	_ =	shalt  }
0x6f: {  	_ =	shalt  }
0x70: {  	_ =	shalt  }
0x71: {  	_ =	shalt  }
0x72: {  	_ =	shalt  }
0x73: {  	_ =	shalt  }
0x74: {  	_ =	shalt  }
0x75: {  	_ =	shalt  }
0x76: {  	_ =	shalt  }
0x77: {  	_ =	shalt  }
0x78: {  	_ =	shalt  }
0x79: {  	_ =	shalt  }
0x7a: {  	_ =	shalt  }
0x7b: {  	_ =	shalt  }
0x7c: {  	_ =	shalt  }
0x7d: {  	_ =	shalt  }
0x7e: {  	_ =	shalt  }
0x7f: {  	_ =	shalt  }
0x80: {  	_ =	shalt  }
0x81: {  	_ =	shalt  }
0x82: {  	_ =	shalt  }
0x83: {  	_ =	shalt  }
0x84: {  	_ =	shalt  }
0x85: {  	_ =	shalt  }
0x86: {  	_ =	shalt  }
0x87: {  	_ =	shalt  }
.Lfunc_end0:
.L_simem_size_0:
called_computation_lowered:
.L_overlay_start_0:
0x88: {  	s2 =	sld [smem:$0x3FD9]  }
0x89: {  	s3 =	sld [smem:$0x3FFE];
	_ =	sdelay $0x1  }
0x8a: {  	s1 =	srdreg.scid  }
0x8b: {  	s0 =	sand.u32 $0x1, s1  }
0x8c: {  	s14 =	sshll.u32 s0, $0xA;
	s2 =	sadd.s32 s3, s2  }
0x8d: {  	s2 =	sadd.s32 s2, s14  }
0x8e: {  	[smem:$0x3FBD] =	sst s2  }
0x8f: {  	_ = 	snop  }
0x90: {  	s2 =	sld [smem:$0x3FD0];
	_ =	sdelay $0x2  }
0x91: {  	s15 =	simm.s32 $0xA;
	s4 =	simm.s32 $0x10  }
0x92: {  	[smem:s4], [sflag:s15] =	dma.local [hbm:s2], $0x1  }
0x93: {  	_ =	swait.eq [sflag:s15], $0x1  }
0x94: {  	[sflag:s15] =	ssyncset.done $0x0  }
0x95: {  	[sflag:s15] =	ssyncadd.s32 $0xFFFFFFFF  }
0x96: {  	s16 =	sld [smem:$0x10];
	(tm) =	ssettm $0x1  }
0x97: {  	s17 =	sld [smem:$0x3FFB];
	_ =	sdelay $0x3  }
0x98: {  	_ =	strace s17  }
0x99: {  	s3 =	sld [smem:$0x3FFC];
	_ =	sdelay $0x3  }
0x9a: {  	_ =	strace s3  }
0x9b: {  	s3 =	sld [smem:$0x3FFD];
	_ =	sdelay $0x3  }
0x9c: {  	_ =	strace s3  }
0x9d: {  	_ =	strace $0x8FFFFFFF  }
0x9e: {  	s18 =	sld [smem:$0x3FDB];
	_ =	sdelay $0x1  }
0x9f: {  	s19 =	simm.s32 $_scs_section_size  }
0xa0: {  	s5 =	simm.s32 $_size__tile_overlayer_lowered;
	s6 =	simm.s32 $_tile_overlayer_lowered  }
0xa1: {  	s22 =	simm.s32 $0x1BFF;
	s21 =	sshll.u32 s6, $0x1;
	s3 =	sadd.s32 s19, s18  }
0xa2: {  	s7 =	simm.s32 $0x0;
	s20 =	sshll.u32 s5, $0x1;
	s5 =	sadd.s32 s21, s3  }
0xa3: {  	[timem:s7], [sflag:s22] =	dma.local [hbm:s5], s20  }
0xa4: {  	_ =	swait.ge [sflag:s22], s20  }
0xa5: {  	s4 =	ssub.s32 $0x0, s20;
	[sflag:s22] =	ssyncset.done $0x0  }
0xa6: {  	[sflag:s22] =	ssyncadd.s32 s4;
	_ =	sdelay $0x1  }
0xa7: {  	s23 =	simm.s32 $0x1B8B  }
0xa8: {  	_ =	swait.ge [sflag:s23], $0x1  }
0xa9: {  	[sflag:s23] =	ssyncset.done $0x0  }
0xaa: {  	s25 =	simm.s32 $0x1B8E;
	s24 =	sld [smem:$0x3FFE];
	[sflag:s23] =	ssyncadd.s32 $0xFFFFFFFF  }
0xab: {  	s26 =	simm.s32 $execute0_lowered;
	[smem:$0x3FD2] =	sst s25  }
0xac: {  	s5 =	sshll.u32 s26, $0x1;
	_ =	strace $0x80000046;
	[dreg:$0x1] =	wrdreg $0xFFFFFFFF  }
0xad: {  	s28 =	simm.s32 $_size_execute0_lowered;
	s3 =	sadd.s32 s3, s5;
	[dreg:$0x0] =	wrdreg $0x0  }
0xae: {  	s5 =	sshll.u32 s28, $0x1;
	[dreg:$0x2] =	wrdreg s3  }
0xaf: {  	[dreg:$0x3] =	wrdreg s5  }
0xb0: {  	[dreg:$0x4] =	wrdreg $0xC0  }
0xb1: {  	_ =	task [dreg:s7], $0x5FFFF  }
0xb2: {  	[dreg:$0x1] =	wrdreg $0xFFFFFFFF  }
0xb3: {  	[dreg:$0x0] =	wrdreg $0x60  }
0xb4: {  	[dreg:$0x2] =	wrdreg s16  }
0xb5: {  	[dreg:$0x3] =	wrdreg s24  }
0xb6: {  	[dreg:$0x4] =	wrdreg $0x43000  }
0xb7: {  	[dreg:$0x5] =	wrdreg $0x9  }
0xb8: {  	_ =	task.clear_ibuf [dreg:s7], $0x6FFFF;
	_ =	strace $0x90000046  }
0xb9: {  	s29 =	simm.s32 $0x9;
	_ =	strace $0x80000048  }
0xba: {  	_ =	swait.ge [sflag:s29], $0x1  }
0xbb: {  	[sflag:s29] =	ssyncadd.s32 $0xFFFFFFFF  }
0xbc: {  	_ =	strace $0x90000048  }
0xbd: {  	_ =	sfence  }
0xbe: {  	s30 =	sld [smem:$0x0];
	_ =	sdelay $0x2  }
0xbf: {  	s31 =	sshll.u32 s1, $0xD;
	s1 =	sshrl.u32 s1, $0x2  }
0xc0: {  	s3 =	sand.u32 $0x4000, s31;
	s1 =	sadd.s32 s1, s30  }
0xc1: {  	s0 =	sor.u32 s3, s0;
	s1 =	sshll.u32 s1, $0x11  }
0xc2: {  	s0 =	sor.u32 s1, s0  }
0xc3: {  	s0 =	sadd.s32 $0x8F2B, s0  }
0xc4: {  	[sflag:s0] =	ssyncadd.remote.s32 $0x1  }
0xc5: {  	_ =	sfence.sel $0xFFFF  }
0xc6: {  	[dreg:$0x0] =	wrdreg $0xFFFFFFFF;
	(pc) =	sbr.abs _section_cstart, $3  }
0xc7: {  	[dreg:$0x1] =	wrdreg $0xFFFFFFFF  }
0xc8: {  	_ =	task.clear_ibuf [dreg:s7], $0x2FFFF;
	_ =	strace $0x9FFFFFFF  }
0xc9: {  	(tm) =	ssettm $0x7FFFFFFF  }
tec
execute0_lowered:
.L_overlay_start_1:
0x0: {  	(tag) =	ssettag $0x1  }
0x1: {  	s4 =	rddreg [dreg:$0x0]  }
0x2: {  	s5 =	rddreg [dreg:$0x1]  }
0x3: {  	s2 =	rddreg [dreg:$0x2]  }
0x4: {  	s0 =	rddreg [dreg:$0x3];
	s6 =	srdreg.scid  }
0x5: {  	s1 =	stileid.u32;
	s3 =	simm.s32 $0x0;
	s11 =	simm.s32 $0x50  }
0x6: {  	s12 =	simm.s32 $0x4000;
	s15 =	simm.s32 $0x20;
	s16 =	simm.s32 $0x10  }
0x7: {  	s17 =	simm.s32 $0x0;
	s6 =	sand.u32 $0x1, s6;
	s7 =	smul.u32 $0x500, s1  }
0x8: {  	[smem:$0x7FF] =	sst s3;
	s10 =	smul.u32 $0xA00, s1;
	s30 =	sshll.u32 s1, $0xC  }
0x9: {  	s13 =	sshll.u32 s1, $0x6;
	s8 =	sshll.u32 s6, $0x7;
	_ =	strace $0x80000047  }
0xa: {  	s28 =	ssub.s32 $0x2, s6;
	s29 =	sshll.u32 s6, $0xB;
	s13 =	sor.u32 $0x1C02, s13  }
0xb: {  	s7 =	sor.u32 s8, s7;
	s9 =	sshrl.u32 s28, $0x1;
	s4 =	sadd.s32 s4, s29  }
0xc: {  	s31 =	sshrl.u32 s10, $0x2;
	s10 =	simm.s32 $0x1;
	s7 =	sshrl.u32 s7, $0x3  }
0xd: {  	s8 =	ssub.s32 s28, s9;
	s4 =	sadd.s32 s30, s4;
	s7 =	sadd.s32 s7, s5  }
0xe: {  	s9 =	simm.s32 $0x2;
	s5 =	sadd.s32 s31, s2;
	s6 =	sadd.s32 $0xD800, s7  }
0xf: {  	v0 =	vimm.f32 $0.0e+00;
	v1 =	vimm.f32 $1.000000000e+00;
	s7 =	smax.u32 s8, $0x1;
	s8 =	simm.s32 $0x4080;
	s14 =	sshrl.u32 s5, $0x3  }
.LBB2_1:
0x10: {  	[tilespmem:$0x4080] =	vst v0  }
0x11: {  	[tilespmem:$0x4090] =	vst v0  }
0x12: {  	[tilespmem:$0x40A0] =	vst v0  }
0x13: {  	[tilespmem:$0x40B0] =	vst v0  }
0x14: {  	[tilespmem:$0x40C0] =	vst v0  }
0x15: {  	[tilespmem:$0x40D0] =	vst v0  }
0x16: {  	[tilespmem:$0x40E0] =	vst v0  }
0x17: {  	[tilespmem:$0x40F0] =	vst v0  }
0x18: {  	[tilespmem:$0x4100] =	vst v0  }
0x19: {  	[tilespmem:$0x4110] =	vst v0  }
0x1a: {  	[tilespmem:$0x4120] =	vst v0  }
0x1b: {  	[tilespmem:$0x4130] =	vst v0  }
0x1c: {  	[tilespmem:$0x4140] =	vst v0  }
0x1d: {  	[tilespmem:$0x4150] =	vst v0  }
0x1e: {  	[tilespmem:$0x4160] =	vst v0  }
0x1f: {  	[tilespmem:$0x4170] =	vst v0  }
0x20: {  	[tilespmem:$0x4180] =	vst v0  }
0x21: {  	[tilespmem:$0x4190] =	vst v0  }
0x22: {  	[tilespmem:$0x41A0] =	vst v0  }
0x23: {  	[tilespmem:$0x41B0] =	vst v0  }
0x24: {  	[tilespmem:$0x41C0] =	vst v0  }
0x25: {  	[tilespmem:$0x41D0] =	vst v0  }
0x26: {  	[tilespmem:$0x41E0] =	vst v0  }
0x27: {  	[tilespmem:$0x41F0] =	vst v0  }
0x28: {  	[tilespmem:$0x4200] =	vst v0  }
0x29: {  	[tilespmem:$0x4210] =	vst v0  }
0x2a: {  	[tilespmem:$0x4220] =	vst v0  }
0x2b: {  	[tilespmem:$0x4230] =	vst v0  }
0x2c: {  	[tilespmem:$0x4240] =	vst v0  }
0x2d: {  	[tilespmem:$0x4250] =	vst v0  }
0x2e: {  	[tilespmem:$0x4260] =	vst v0  }
0x2f: {  	[tilespmem:$0x4270] =	vst v0  }
0x30: {  	[tilespmem:$0x4280] =	vst v0  }
0x31: {  	[tilespmem:$0x4290] =	vst v0  }
0x32: {  	[tilespmem:$0x42A0] =	vst v0  }
0x33: {  	[tilespmem:$0x42B0] =	vst v0  }
0x34: {  	[tilespmem:$0x42C0] =	vst v0  }
0x35: {  	[tilespmem:$0x42D0] =	vst v0  }
0x36: {  	[tilespmem:$0x42E0] =	vst v0  }
0x37: {  	[tilespmem:$0x42F0] =	vst v0  }
0x38: {  	[tilespmem:$0x4000] =	vst v1  }
0x39: {  	[tilespmem:$0x4010] =	vst v1  }
0x3a: {  	[tilespmem:$0x4020] =	vst v1  }
0x3b: {  	[tilespmem:$0x4030] =	vst v1  }
0x3c: {  	[tilespmem:$0x4040] =	vst v1  }
0x3d: {  	[tilespmem:s3], [sflag:$0x1] =	stream.linear.gather [hbm4b:s4+s3], $0x3E80, $0x38;
	[tilespmem:$0x4580] =	vst v63  }
0x3e: {  	_ = 	snop  }
0x3f: {  	[spmem:s5] =	stream.linear.scatter [tilespmem:s8], [sflag:$0x2], $0x280, $0x38;
	[tilespmem:$0x4580] =	vst v63  }
0x40: {  	_ =	swait.ge [sflag:s9], $0x280  }
0x41: {  	[sflag:s9] =	ssyncset.done $0x0  }
0x42: {  	[sflag:s9] =	ssyncadd.s32 $0xFFFFFD80  }
0x43: {  	_ =	swait.ge [sflag:s10], $0x3E80  }
0x44: {  	[sflag:s10] =	ssyncset.done $0x0  }
0x45: {  	[sflag:s10] =	ssyncadd.s32 $0xFFFFC180  }
0x46: {  	s18 =	simm.s32 $0x0;
	[bflag:$0x0] =	sbarrier.arrive $0xFFFF  }
0x47: {  	[spmem:s2] =	stream.indirect.scatter.add.f32 [tilespmem:s12], [sflag:$0x2], $0x1, s18, s11, $0xb8;
	[tilespmem:$0x4580] =	vst v63  }
0x48: {  	_ =	swait.ge [sflag:s9], $0x50  }
0x49: {  	s18 =	simm.s32 $0x200;
	[sflag:s9] =	ssyncset.done $0x0  }
.LBB2_2:
0x4a: {  	s19 =	sshra.s32 s18, $0x2;
	[sflag:s9] =	ssyncadd.s32 $0xFFFFFFB0;
	p0 =	sne.s32 s18, $0xF800  }
0x4b: {  	[spmem:s2] =	stream.indirect.scatter.add.f32 [tilespmem:s12], [sflag:$0x2], $0x1, s19, s11, $0xb8;
	[tilespmem:$0x4580] =	vst v63  }
.Ltmp0:
0x4c: {  	_ = 	snop;
	(pc) =	sbr.rel @p0 .LBB2_2-.Ltmp0, $4  }
0x4d: {  	_ = 	snop  }
0x4e: {  	s18 =	sadd.s32 $0x200, s18  }
0x4f: {  	_ =	swait.ge [sflag:s9], $0x50  }
0x50: {  	[sflag:s9] =	ssyncset.done $0x0  }
0x51: {  	s17 =	sadd.s32 $0x1, s17  }
0x52: {  	[sflag:s9] =	ssyncadd.s32 $0xFFFFFFB0;
	p0 =	sne.s32 s17, s7  }
.Ltmp1:
0x53: {  	[bflag:$0x0] =	sbarrier.arrive $0xFFFF;
	(pc) =	sbr.rel @p0 .LBB2_1-.Ltmp1, $4  }
0x54: {  	[hbm:s6@s15], [sflag:s13] =	dma.strided [spmem:s14@s16], $0x50, s10, $0x10   }
0x55: {  	_ =	swait.ge [sflag:s9], $0x50  }
0x56: {  	[sflag:s9] =	ssyncset.done $0x0  }
0x57: {  	[sflag:s9] =	ssyncadd.s32 $0xFFFFFFB0  }
0x58: {  	_ =	sfence.sel $0x180000  }
0x59: {  	[bflag:$0x0] =	sbarrier.arrive $0xFFFF  }
0x5a: {  	p0 =	sne.s32 s1, $0x0;
	_ =	strace $0x90000047  }
0x5b: {  	s0 =	sadd.s32 @!p0 $0x100000, s0;
	[bflag:$0x2] =	sbarrier.arrive $0xFFFF  }
0x5c: {  	[sflag:s0] =	ssyncadd.tile.s32 @!p0 $0x1;
	_ =	shalt  }
.Lfunc_end2:
_tile_overlayer_lowered:
.L_overlay_start_2:
0x5d: {  	(tag) =	ssettag $0x2  }
0x5e: {  	s0 =	rddreg [dreg:$0x0];
	s2 =	stileid.u32  }
0x5f: {  	s1 =	rddreg [dreg:$0x1];
	p0 =	sne.s32 s2, $0x0  }
0x60: {  	s3 =	rddreg [dreg:$0x2];
	[bflag:$0x3] =	sbarrier.arrive $0xFFFF;
	s2 =	simm.s32 @!p0 $0x1C02  }
0x61: {  	[timem:s3], [sflag:s2] =	dma.local @!p0 [hbm:s0], s1  }
0x62: {  	s0 =	simm.s32 @!p0 $0x2  }
0x63: {  	_ =	swait.ge @!p0 [sflag:s0], s1  }
0x64: {  	s1 =	ssub.s32 @!p0 $0x0, s1;
	[sflag:s0] =	ssyncset.done @!p0 $0x0  }
0x65: {  	[sflag:s0] =	ssyncadd.s32 @!p0 s1  }
0x66: {  	[bflag:$0x3] =	sbarrier.arrive $0xFFFF  }
0x67: {  	_ =	shalt  }

</sc_bundles>
